<compile_context>
chip_gen: v7x
topology: tpu7x:2x2x1
jax: 0.10.2.dev20260603
libtpu: 0.0.44.dev20260713+nightly
codegen_flags: <defaults>
</compile_context>

<pallas_src>
import functools
import math

import jax
import jax.numpy as jnp
from jax.experimental import pallas as pl
from jax.experimental.pallas import tpu as pltpu
from jax.experimental.pallas import tpu_sc as plsc

N, E, H, D = 10000, 320000, 128, 16
CUTOFF = 10.0
_LOG2 = math.log(2.0)

NC, NS, L = 2, 16, 16
NW = NC * NS
CH = 128
NCHUNK = E // CH
BLK_ROWS = 80
NBLK = N // BLK_ROWS

EBLK = 2000


def _ssp(x):
    return jax.nn.softplus(x) - _LOG2



def _ef_body(e_ref, d_ref, w1_ref, b1_ref, w2_ref, b2_ref, out_ref):
    t = jnp.dot(e_ref[...], w1_ref[...], preferred_element_type=jnp.float32)
    t = _ssp(t + b1_ref[...])
    t = jnp.dot(t, w2_ref[...], preferred_element_type=jnp.float32) + b2_ref[...]
    c = 0.5 * (jnp.cos(d_ref[...] * (math.pi / CUTOFF)) + 1.0)
    out_ref[...] = t * c


def _edge_mlp(edge_feats, dists2d, w1t, b1, w2t, b2):
    grid = E // EBLK
    return pl.pallas_call(
        _ef_body,
        grid=(grid,),
        in_specs=[
            pl.BlockSpec((EBLK, D), lambda i: (i, 0)),
            pl.BlockSpec((EBLK, 1), lambda i: (i, 0)),
            pl.BlockSpec((D, H), lambda i: (0, 0)),
            pl.BlockSpec((1, H), lambda i: (0, 0)),
            pl.BlockSpec((H, H), lambda i: (0, 0)),
            pl.BlockSpec((1, H), lambda i: (0, 0)),
        ],
        out_specs=pl.BlockSpec((EBLK, H), lambda i: (i, 0)),
        out_shape=jax.ShapeDtypeStruct((E, H), jnp.float32),
    )(edge_feats, dists2d, w1t, b1, w2t, b2)



def _h_body(x_ref, w_ref, b_ref, out_ref):
    out_ref[...] = (
        jnp.dot(x_ref[...], w_ref[...], preferred_element_type=jnp.float32)
        + b_ref[...]
    )


def _node_lin(node_feats, wt, b):
    return pl.pallas_call(
        _h_body,
        out_shape=jax.ShapeDtypeStruct((N, H), jnp.float32),
    )(node_feats, wt, b)



def _sc_msg_agg(h, src, dst, ef):
    mesh = plsc.VectorSubcoreMesh(core_axis_name="c", subcore_axis_name="s")

    @functools.partial(
        pl.kernel,
        out_type=jax.ShapeDtypeStruct((NC, N, H), jnp.float32),
        mesh=mesh,
        scratch_types=[
            pltpu.VMEM((CH,), jnp.int32),
            pltpu.VMEM((CH,), jnp.int32),
            pltpu.VMEM((CH, H), jnp.float32),
            pltpu.VMEM((CH, H), jnp.float32),
            pltpu.VMEM((BLK_ROWS, H), jnp.float32),
            pltpu.VMEM_SHARED((N, H), jnp.float32),
            pltpu.SemaphoreType.DMA,
        ],
    )
    def k(h_hbm, src_hbm, dst_hbm, ef_hbm, out_hbm,
          src_v, dst_v, ef_v, rows_v, zero_v, acc_sh, sem):
        cid = jax.lax.axis_index("c")
        sid = jax.lax.axis_index("s")
        w = cid * NS + sid

        @pl.loop(0, BLK_ROWS)
        def _(i):
            @pl.loop(0, H, step=L)
            def _(kk):
                zero_v[i, pl.ds(kk, L)] = jnp.zeros((L,), jnp.float32)

        nblk_t = (NBLK - sid + NS - 1) // NS

        @pl.loop(0, nblk_t)
        def _(j):
            row0 = (sid + j * NS) * BLK_ROWS
            pltpu.sync_copy(zero_v, acc_sh.at[pl.ds(row0, BLK_ROWS)])

        plsc.subcore_barrier()

        nch = (NCHUNK - w + NW - 1) // NW

        @pl.loop(0, nch)
        def _(j):
            base = (w + j * NW) * CH
            pltpu.sync_copy(src_hbm.at[pl.ds(base, CH)], src_v)
            pltpu.sync_copy(dst_hbm.at[pl.ds(base, CH)], dst_v)
            pltpu.async_copy(h_hbm.at[src_v], rows_v, sem).wait()
            pltpu.sync_copy(ef_hbm.at[pl.ds(base, CH)], ef_v)

            @pl.loop(0, CH)
            def _(i):
                @pl.loop(0, H, step=L)
                def _(kk):
                    rows_v[i, pl.ds(kk, L)] = (
                        rows_v[i, pl.ds(kk, L)] * ef_v[i, pl.ds(kk, L)]
                    )

            pltpu.sync_copy(rows_v, acc_sh.at[dst_v], add=True)

        plsc.subcore_barrier()

        @pl.loop(0, nblk_t)
        def _(j):
            row0 = (sid + j * NS) * BLK_ROWS
            pltpu.sync_copy(
                acc_sh.at[pl.ds(row0, BLK_ROWS)],
                out_hbm.at[cid, pl.ds(row0, BLK_ROWS)],
            )

    return k(h, src, dst, ef)



def _final_body(p_ref, x0_ref, w2_ref, b2_ref, w_ref, b_ref, out_ref):
    agg = p_ref[0] + p_ref[1]
    out = jnp.dot(agg, w2_ref[...], preferred_element_type=jnp.float32) + b2_ref[...]
    out = out + out
    x = _ssp(out)
    x = jnp.dot(x, w_ref[...], preferred_element_type=jnp.float32) + b_ref[...]
    out_ref[...] = x + x0_ref[...]


def _final(partials, node_feats, w2t, b2, wt, b):
    return pl.pallas_call(
        _final_body,
        out_shape=jax.ShapeDtypeStruct((N, H), jnp.float32),
    )(partials, node_feats, w2t, b2, wt, b)



def kernel(node_feats, edge_feats, distances, edge_index,
           mlp_W1, mlp_b1, mlp_W2, mlp_b2,
           lin1_W, lin1_b, lin2_W, lin2_b, lin_W, lin_b):
    src = edge_index[0]
    dst = edge_index[1]
    ef = _edge_mlp(edge_feats, distances[:, None],
                   mlp_W1.T, mlp_b1[None], mlp_W2.T, mlp_b2[None])
    h = _node_lin(node_feats, lin1_W.T, lin1_b[None])
    partials = _sc_msg_agg(h, src, dst, ef)
    return _final(partials, node_feats, lin2_W.T, lin2_b[None],
                  lin_W.T, lin_b[None])

# --- scband reference (transcript-rebuilt; emitter-appended) ---
"""Pipeline reference for scband-interaction-block-old-32796370272381 (READ-ONLY COPY).

The authoritative reference and input builder live on the scoring server;
editing this copy changes nothing except your own understanding.
"""

import jax, jax.numpy as jnp
import numpy as np
import math

N, E, H, D = 10000, 320000, 128, 16
CUTOFF = 10.0

def _ssp(x):
    return jax.nn.softplus(x) - jnp.log(2.0)

def _lin_init(key, out_f, in_f):
    b = 1.0 / math.sqrt(in_f)
    k1, k2 = jax.random.split(key)
    W = jax.random.uniform(k1, (out_f, in_f), minval=-b, maxval=b, dtype=jnp.float32)
    bias = jax.random.uniform(k2, (out_f,), minval=-b, maxval=b, dtype=jnp.float32)
    return W, bias

def setup_inputs(seed: int = 0) -> dict:
    key = jax.random.key(seed)
    ks = jax.random.split(key, 10)
    node_feats = jax.random.normal(ks[0], (N, H), dtype=jnp.float32)
    edge_feats = jax.random.normal(ks[1], (E, D), dtype=jnp.float32)
    distances = jax.random.uniform(ks[2], (E,), dtype=jnp.float32)
    edge_index = jax.random.randint(ks[3], (2, E), 0, N, dtype=jnp.int32)
    mlp_W1, mlp_b1 = _lin_init(ks[4], H, D)
    mlp_W2, mlp_b2 = _lin_init(ks[5], H, H)
    lin1_W, lin1_b = _lin_init(ks[6], H, H)
    lin2_W, lin2_b = _lin_init(ks[7], H, H)
    lin_W, lin_b = _lin_init(ks[8], H, H)
    return {"node_feats": node_feats, "edge_feats": edge_feats, "distances": distances,
            "edge_index": edge_index,
            "mlp_W1": mlp_W1, "mlp_b1": mlp_b1, "mlp_W2": mlp_W2, "mlp_b2": mlp_b2,
            "lin1_W": lin1_W, "lin1_b": lin1_b, "lin2_W": lin2_W, "lin2_b": lin2_b,
            "lin_W": lin_W, "lin_b": lin_b}

def reference(node_feats, edge_feats, distances, edge_index,
              mlp_W1, mlp_b1, mlp_W2, mlp_b2,
              lin1_W, lin1_b, lin2_W, lin2_b, lin_W, lin_b):
    orig = node_feats
    # CFconv
    C = 0.5 * (jnp.cos(distances * math.pi / CUTOFF) + 1.0)
    ef = _ssp(edge_feats @ mlp_W1.T + mlp_b1) @ mlp_W2.T + mlp_b2
    ef = ef * C[:, None]
    h = node_feats @ lin1_W.T + lin1_b
    msg = h[edge_index[0]] * ef  # message: h_j * edge_feats
    agg = jax.ops.segment_sum(msg, edge_index[1], num_segments=node_feats.shape[0])  # aggr='add'
    out = agg @ lin2_W.T + lin2_b
    # batch_norm=False; residual=True in CFconv: node_feats += node_feats (doubles)
    out = out + out
    # dropout p=0.0: no-op
    # InteractionBlock
    x = _ssp(out)
    x = x @ lin_W.T + lin_b
    # batch_norm=False; residual=True: add original node features
    x = x + orig
    return x

if __name__ == "__main__":
    import jax
    _d = setup_inputs()
    print(jax.jit(kernel)(*tuple(_d.values())))

</pallas_src>

<mosaic_0001>
#map = affine_map<(d0, d1) -> (0, 0)>
#map1 = affine_map<(d0, d1) -> (0)>
#map2 = affine_map<(d0, d1) -> (0, 0, 0)>
module attributes {stable_mosaic.version = 14 : i64} {
  func.func @k(%arg0: i32, %arg1: i32, %arg2: memref<10000x128xf32, #tpu.memory_space<hbm>>, %arg3: memref<320000xi32, #tpu.memory_space<hbm>>, %arg4: memref<320000xi32, #tpu.memory_space<hbm>>, %arg5: memref<320000x128xf32, #tpu.memory_space<hbm>>, %arg6: memref<2x10000x128xf32, #tpu.memory_space<hbm>>, %arg7: memref<128xi32, #tpu.memory_space<vmem>>, %arg8: memref<128xi32, #tpu.memory_space<vmem>>, %arg9: memref<128x128xf32, #tpu.memory_space<vmem>>, %arg10: memref<128x128xf32, #tpu.memory_space<vmem>>, %arg11: memref<80x128xf32, #tpu.memory_space<vmem>>, %arg12: memref<10000x128xf32, #tpu.memory_space<vmem_shared>>, %arg13: memref<!tpu.dma_semaphore, #tpu.memory_space<semaphore_mem>>) attributes {dimension_semantics = [#tpu.dimension_semantics<core_parallel>, #tpu.dimension_semantics<subcore_parallel>], iteration_bounds = array<i64: 2, 16>, scalar_prefetch = 0 : i64, scratch_operands = 7 : i64, tpu.core_type = #tpu.core_type<sc_vector_subcore>, window_params = [{transform_indices = #map}, {transform_indices = #map1}, {transform_indices = #map1}, {transform_indices = #map}, {transform_indices = #map2}]} {
    %mul3A = arith.constant 16 : i32
    %mul3A_0 = arith.muli %arg0, %mul3A : i32
    %add3A = arith.addi %mul3A_0, %arg1 : i32
    %scan3A = arith.constant 0 : i32
    %scan3A_1 = arith.constant 80 : i32
    %scan3A_2 = arith.addi %scan3A, %scan3A_1 : i32
    %scan3A_3 = arith.constant 1 : i32
    scf.for %scan3A_114 = %scan3A to %scan3A_2 step %scan3A_3  : i32 {
      %mul3A_115 = arith.constant 1 : i32
      %mul3A_116 = arith.muli %scan3A_114, %mul3A_115 : i32
      %add3A_117 = arith.constant 0 : i32
      %add3A_118 = arith.addi %add3A_117, %mul3A_116 : i32
      %scan3A_119 = arith.constant 0 : i32
      %scan3A_120 = arith.constant 8 : i32
      %scan3A_121 = arith.addi %scan3A_119, %scan3A_120 : i32
      %scan3A_122 = arith.constant 1 : i32
      scf.for %scan3A_124 = %scan3A_119 to %scan3A_121 step %scan3A_122  : i32 {
        %mul3A_125 = arith.constant 16 : i32
        %mul3A_126 = arith.muli %scan3A_124, %mul3A_125 : i32
        %add3A_127 = arith.constant 0 : i32
        %add3A_128 = arith.addi %add3A_127, %mul3A_126 : i32
        %broadcast_in_dim3A = arith.constant 0.000000e+00 : f32
        %broadcast_in_dim3A_129 = vector.broadcast %broadcast_in_dim3A : f32 to vector<16xf32>
        %swap3A = arith.index_cast %add3A_118 : i32 to index
        %swap3A_130 = arith.index_cast %add3A_128 : i32 to index
        %swap3A_131 = tpu.vector_load %arg11[%swap3A, %swap3A_130] {strides = array<i32>} : memref<80x128xf32, #tpu.memory_space<vmem>>, vector<1x16xf32>,
        %swap3A_132 = vector.shape_cast %swap3A_131 : vector<1x16xf32> to vector<16xf32>
        %swap3A_133 = vector.shape_cast %broadcast_in_dim3A_129 : vector<16xf32> to vector<1x16xf32>
        tpu.vector_store %arg11[%swap3A, %swap3A_130], %swap3A_133 {strides = array<i32>} : memref<80x128xf32, #tpu.memory_space<vmem>>, vector<1x16xf32>,
      }
      %scan3A_123 = arith.constant 8 : i32
    }
    %scan3A_4 = arith.constant 80 : i32
    %sub3A = arith.constant 125 : i32
    %sub3A_5 = arith.subi %sub3A, %arg1 : i32
    %add3A_6 = arith.constant 16 : i32
    %add3A_7 = arith.addi %sub3A_5, %add3A_6 : i32
    %sub3A_8 = arith.constant 1 : i32
    %sub3A_9 = arith.subi %add3A_7, %sub3A_8 : i32
    %jit3A = arith.constant 16 : i32
    %div3A = arith.divsi %sub3A_9, %jit3A : i32
    %sign3A = arith.constant 0 : i32
    %sign3A_10 = arith.cmpi sgt, %sub3A_9, %sign3A : i32
    %sign3A_11 = arith.extui %sign3A_10 : i1 to i32
    %sign3A_12 = arith.constant 0 : i32
    %sign3A_13 = arith.cmpi slt, %sub3A_9, %sign3A_12 : i32
    %sign3A_14 = arith.extui %sign3A_13 : i1 to i32
    %sign3A_15 = arith.subi %sign3A_11, %sign3A_14 : i32
    %sign3A_16 = arith.constant 0 : i32
    %sign3A_17 = arith.cmpi sgt, %jit3A, %sign3A_16 : i32
    %sign3A_18 = arith.extui %sign3A_17 : i1 to i32
    %sign3A_19 = arith.constant 0 : i32
    %sign3A_20 = arith.cmpi slt, %jit3A, %sign3A_19 : i32
    %sign3A_21 = arith.extui %sign3A_20 : i1 to i32
    %sign3A_22 = arith.subi %sign3A_18, %sign3A_21 : i32
    %ne3A = arith.cmpi ne, %sign3A_15, %sign3A_22 : i32
    %rem3A = arith.remsi %sub3A_9, %jit3A : i32
    %ne3A_23 = arith.constant 0 : i32
    %ne3A_24 = arith.cmpi ne, %rem3A, %ne3A_23 : i32
    %and3A = arith.andi %ne3A, %ne3A_24 : i1
    %sub3A_25 = arith.constant 1 : i32
    %sub3A_26 = arith.subi %div3A, %sub3A_25 : i32
    %select_n3A = arith.select %and3A, %sub3A_26, %div3A : i32
    %sub3A_27 = arith.constant 0 : i32
    %sub3A_28 = arith.subi %select_n3A, %sub3A_27 : i32
    %sub3A_29 = arith.constant 1 : i32
    %sub3A_30 = arith.constant 1 : i32
    %sub3A_31 = arith.subi %sub3A_29, %sub3A_30 : i32
    %add3A_32 = arith.addi %sub3A_28, %sub3A_31 : i32
    %div3A_33 = arith.constant 1 : i32
    %div3A_34 = arith.divsi %add3A_32, %div3A_33 : i32
    %while3A = arith.constant 1 : i32
    %while3A_35 = arith.constant 0 : i32
    %while3A_36 = arith.constant 0 : i32
    %while3A_37 = arith.subi %div3A_34, %while3A_36 : i32
    %while3A_38 = arith.addi %while3A_36, %while3A_37 : i32
    %while3A_39 = arith.constant 1 : i32
    %while3A_40 = arith.divsi %while3A_37, %while3A_39 : i32
    %while3A_41 = arith.muli %while3A_40, %while3A_39 : i32
    %while3A_42 = arith.addi %while3A_36, %while3A_41 : i32
    %while3A_43 = arith.constant 1 : i32
    scf.for %while3A_114 = %while3A_36 to %while3A_42 step %while3A_43  : i32 {
      %mul3A_115 = arith.muli %while3A_114, %while3A : i32
      %add3A_116 = arith.addi %while3A_35, %mul3A_115 : i32
      %mul3A_117 = arith.constant 16 : i32
      %mul3A_118 = arith.muli %add3A_116, %mul3A_117 : i32
      %add3A_119 = arith.addi %arg1, %mul3A_118 : i32
      %mul3A_120 = arith.constant 80 : i32
      %mul3A_121 = arith.muli %add3A_119, %mul3A_120 : i32
      "tpu.region"() ({
        %run_scoped3A = tpu.sem_alloc : memref<!tpu.dma_semaphore, #tpu.memory_space<semaphore_mem>>
        %dma_start3A = arith.constant 0 : i32
        %dma_start3A_122 = tpu.memref_slice %arg12[%mul3A_121, %dma_start3A] : memref<10000x128xf32, #tpu.memory_space<vmem_shared>> -> memref<80x128xf32, #tpu.memory_space<vmem_shared>>
        %dma_start3A_123 = arith.constant 0 : i32
        %dma_start3A_124 = tpu.memref_slice %arg12[%mul3A_121, %dma_start3A_123] : memref<10000x128xf32, #tpu.memory_space<vmem_shared>> -> memref<80x128xf32, #tpu.memory_space<vmem_shared>>
        tpu.enqueue_dma source(%arg11 : memref<80x128xf32, #tpu.memory_space<vmem>>) target(%dma_start3A_124 : memref<80x128xf32, #tpu.memory_space<vmem_shared>>) target_semaphore(%run_scoped3A : memref<!tpu.dma_semaphore, #tpu.memory_space<semaphore_mem>>)
        %dma_wait3A = arith.constant 0 : i32
        %dma_wait3A_125 = tpu.memref_slice %arg12[%mul3A_121, %dma_wait3A] : memref<10000x128xf32, #tpu.memory_space<vmem_shared>> -> memref<80x128xf32, #tpu.memory_space<vmem_shared>>
        %dma_wait3A_126 = arith.constant 0 : i32
        %dma_wait3A_127 = tpu.memref_slice %arg12[%mul3A_121, %dma_wait3A_126] : memref<10000x128xf32, #tpu.memory_space<vmem_shared>> -> memref<80x128xf32, #tpu.memory_space<vmem_shared>>
        tpu.wait_dma2 semaphore(%run_scoped3A : memref<!tpu.dma_semaphore, #tpu.memory_space<semaphore_mem>>) src(%arg11 : memref<80x128xf32, #tpu.memory_space<vmem>>) dst(%dma_wait3A_127 : memref<80x128xf32, #tpu.memory_space<vmem_shared>>)
        tpu.yield
      }) : () -> ()
    }
    %while3A_44 = arith.constant 1 : i32
    scf.for %while3A_114 = %while3A_42 to %while3A_38 step %while3A_44  : i32 {
      %mul3A_115 = arith.muli %while3A_114, %while3A : i32
      %add3A_116 = arith.addi %while3A_35, %mul3A_115 : i32
      %mul3A_117 = arith.constant 16 : i32
      %mul3A_118 = arith.muli %add3A_116, %mul3A_117 : i32
      %add3A_119 = arith.addi %arg1, %mul3A_118 : i32
      %mul3A_120 = arith.constant 80 : i32
      %mul3A_121 = arith.muli %add3A_119, %mul3A_120 : i32
      "tpu.region"() ({
        %run_scoped3A = tpu.sem_alloc : memref<!tpu.dma_semaphore, #tpu.memory_space<semaphore_mem>>
        %dma_start3A = arith.constant 0 : i32
        %dma_start3A_122 = tpu.memref_slice %arg12[%mul3A_121, %dma_start3A] : memref<10000x128xf32, #tpu.memory_space<vmem_shared>> -> memref<80x128xf32, #tpu.memory_space<vmem_shared>>
        %dma_start3A_123 = arith.constant 0 : i32
        %dma_start3A_124 = tpu.memref_slice %arg12[%mul3A_121, %dma_start3A_123] : memref<10000x128xf32, #tpu.memory_space<vmem_shared>> -> memref<80x128xf32, #tpu.memory_space<vmem_shared>>
        tpu.enqueue_dma source(%arg11 : memref<80x128xf32, #tpu.memory_space<vmem>>) target(%dma_start3A_124 : memref<80x128xf32, #tpu.memory_space<vmem_shared>>) target_semaphore(%run_scoped3A : memref<!tpu.dma_semaphore, #tpu.memory_space<semaphore_mem>>)
        %dma_wait3A = arith.constant 0 : i32
        %dma_wait3A_125 = tpu.memref_slice %arg12[%mul3A_121, %dma_wait3A] : memref<10000x128xf32, #tpu.memory_space<vmem_shared>> -> memref<80x128xf32, #tpu.memory_space<vmem_shared>>
        %dma_wait3A_126 = arith.constant 0 : i32
        %dma_wait3A_127 = tpu.memref_slice %arg12[%mul3A_121, %dma_wait3A_126] : memref<10000x128xf32, #tpu.memory_space<vmem_shared>> -> memref<80x128xf32, #tpu.memory_space<vmem_shared>>
        tpu.wait_dma2 semaphore(%run_scoped3A : memref<!tpu.dma_semaphore, #tpu.memory_space<semaphore_mem>>) src(%arg11 : memref<80x128xf32, #tpu.memory_space<vmem>>) dst(%dma_wait3A_127 : memref<80x128xf32, #tpu.memory_space<vmem_shared>>)
        tpu.yield
      }) : () -> ()
    }
    %barrier3A = arith.constant 0 : index
    tpu.barrier barrier_id(%barrier3A)
    %sub3A_45 = arith.constant 2500 : i32
    %sub3A_46 = arith.subi %sub3A_45, %add3A : i32
    %add3A_47 = arith.constant 32 : i32
    %add3A_48 = arith.addi %sub3A_46, %add3A_47 : i32
    %sub3A_49 = arith.constant 1 : i32
    %sub3A_50 = arith.subi %add3A_48, %sub3A_49 : i32
    %jit3A_51 = arith.constant 32 : i32
    %div3A_52 = arith.divsi %sub3A_50, %jit3A_51 : i32
    %sign3A_53 = arith.constant 0 : i32
    %sign3A_54 = arith.cmpi sgt, %sub3A_50, %sign3A_53 : i32
    %sign3A_55 = arith.extui %sign3A_54 : i1 to i32
    %sign3A_56 = arith.constant 0 : i32
    %sign3A_57 = arith.cmpi slt, %sub3A_50, %sign3A_56 : i32
    %sign3A_58 = arith.extui %sign3A_57 : i1 to i32
    %sign3A_59 = arith.subi %sign3A_55, %sign3A_58 : i32
    %sign3A_60 = arith.constant 0 : i32
    %sign3A_61 = arith.cmpi sgt, %jit3A_51, %sign3A_60 : i32
    %sign3A_62 = arith.extui %sign3A_61 : i1 to i32
    %sign3A_63 = arith.constant 0 : i32
    %sign3A_64 = arith.cmpi slt, %jit3A_51, %sign3A_63 : i32
    %sign3A_65 = arith.extui %sign3A_64 : i1 to i32
    %sign3A_66 = arith.subi %sign3A_62, %sign3A_65 : i32
    %ne3A_67 = arith.cmpi ne, %sign3A_59, %sign3A_66 : i32
    %rem3A_68 = arith.remsi %sub3A_50, %jit3A_51 : i32
    %ne3A_69 = arith.constant 0 : i32
    %ne3A_70 = arith.cmpi ne, %rem3A_68, %ne3A_69 : i32
    %and3A_71 = arith.andi %ne3A_67, %ne3A_70 : i1
    %sub3A_72 = arith.constant 1 : i32
    %sub3A_73 = arith.subi %div3A_52, %sub3A_72 : i32
    %select_n3A_74 = arith.select %and3A_71, %sub3A_73, %div3A_52 : i32
    %sub3A_75 = arith.constant 0 : i32
    %sub3A_76 = arith.subi %select_n3A_74, %sub3A_75 : i32
    %sub3A_77 = arith.constant 1 : i32
    %sub3A_78 = arith.constant 1 : i32
    %sub3A_79 = arith.subi %sub3A_77, %sub3A_78 : i32
    %add3A_80 = arith.addi %sub3A_76, %sub3A_79 : i32
    %div3A_81 = arith.constant 1 : i32
    %div3A_82 = arith.divsi %add3A_80, %div3A_81 : i32
    %while3A_83 = arith.constant 1 : i32
    %while3A_84 = arith.constant 0 : i32
    %while3A_85 = arith.constant 0 : i32
    %while3A_86 = arith.subi %div3A_82, %while3A_85 : i32
    %while3A_87 = arith.addi %while3A_85, %while3A_86 : i32
    %while3A_88 = arith.constant 1 : i32
    %while3A_89 = arith.divsi %while3A_86, %while3A_88 : i32
    %while3A_90 = arith.muli %while3A_89, %while3A_88 : i32
    %while3A_91 = arith.addi %while3A_85, %while3A_90 : i32
    %while3A_92 = arith.constant 1 : i32
    scf.for %while3A_114 = %while3A_85 to %while3A_91 step %while3A_92  : i32 {
      %mul3A_115 = arith.muli %while3A_114, %while3A_83 : i32
      %add3A_116 = arith.addi %while3A_84, %mul3A_115 : i32
      %mul3A_117 = arith.constant 32 : i32
      %mul3A_118 = arith.muli %add3A_116, %mul3A_117 : i32
      %add3A_119 = arith.addi %add3A, %mul3A_118 : i32
      %mul3A_120 = arith.constant 128 : i32
      %mul3A_121 = arith.muli %add3A_119, %mul3A_120 : i32
      "tpu.region"() ({
        %run_scoped3A = tpu.sem_alloc : memref<!tpu.dma_semaphore, #tpu.memory_space<semaphore_mem>>
        %dma_start3A_131 = tpu.memref_slice %arg3[%mul3A_121] : memref<320000xi32, #tpu.memory_space<hbm>> -> memref<128xi32, #tpu.memory_space<hbm>>
        %dma_start3A_132 = tpu.memref_slice %arg3[%mul3A_121] : memref<320000xi32, #tpu.memory_space<hbm>> -> memref<128xi32, #tpu.memory_space<hbm>>
        tpu.enqueue_dma source(%dma_start3A_132 : memref<128xi32, #tpu.memory_space<hbm>>) target(%arg7 : memref<128xi32, #tpu.memory_space<vmem>>) target_semaphore(%run_scoped3A : memref<!tpu.dma_semaphore, #tpu.memory_space<semaphore_mem>>)
        %dma_wait3A_133 = tpu.memref_slice %arg3[%mul3A_121] : memref<320000xi32, #tpu.memory_space<hbm>> -> memref<128xi32, #tpu.memory_space<hbm>>
        %dma_wait3A_134 = tpu.memref_slice %arg3[%mul3A_121] : memref<320000xi32, #tpu.memory_space<hbm>> -> memref<128xi32, #tpu.memory_space<hbm>>
        tpu.wait_dma2 semaphore(%run_scoped3A : memref<!tpu.dma_semaphore, #tpu.memory_space<semaphore_mem>>) src(%dma_wait3A_134 : memref<128xi32, #tpu.memory_space<hbm>>) dst(%arg7 : memref<128xi32, #tpu.memory_space<vmem>>)
        tpu.yield
      }) : () -> ()
      "tpu.region"() ({
        %run_scoped3A = tpu.sem_alloc : memref<!tpu.dma_semaphore, #tpu.memory_space<semaphore_mem>>
        %dma_start3A_131 = tpu.memref_slice %arg4[%mul3A_121] : memref<320000xi32, #tpu.memory_space<hbm>> -> memref<128xi32, #tpu.memory_space<hbm>>
        %dma_start3A_132 = tpu.memref_slice %arg4[%mul3A_121] : memref<320000xi32, #tpu.memory_space<hbm>> -> memref<128xi32, #tpu.memory_space<hbm>>
        tpu.enqueue_dma source(%dma_start3A_132 : memref<128xi32, #tpu.memory_space<hbm>>) target(%arg8 : memref<128xi32, #tpu.memory_space<vmem>>) target_semaphore(%run_scoped3A : memref<!tpu.dma_semaphore, #tpu.memory_space<semaphore_mem>>)
        %dma_wait3A_133 = tpu.memref_slice %arg4[%mul3A_121] : memref<320000xi32, #tpu.memory_space<hbm>> -> memref<128xi32, #tpu.memory_space<hbm>>
        %dma_wait3A_134 = tpu.memref_slice %arg4[%mul3A_121] : memref<320000xi32, #tpu.memory_space<hbm>> -> memref<128xi32, #tpu.memory_space<hbm>>
        tpu.wait_dma2 semaphore(%run_scoped3A : memref<!tpu.dma_semaphore, #tpu.memory_space<semaphore_mem>>) src(%dma_wait3A_134 : memref<128xi32, #tpu.memory_space<hbm>>) dst(%arg8 : memref<128xi32, #tpu.memory_space<vmem>>)
        tpu.yield
      }) : () -> ()
      %dma_start3A = arith.constant 0 : i32
      %dma_start3A_122 = arith.constant 0 : i32
      %dma_start3A_123 = tpu.memref_slice %arg2[%dma_start3A, %dma_start3A_122] : memref<10000x128xf32, #tpu.memory_space<hbm>> -> memref<10000x128xf32, #tpu.memory_space<hbm>>
      tpu.enqueue_indirect_dma source(%dma_start3A_123 : memref<10000x128xf32, #tpu.memory_space<hbm>>) target(%arg10 : memref<128x128xf32, #tpu.memory_space<vmem>>) offsets(%arg7 : memref<128xi32, #tpu.memory_space<vmem>>) semaphore(%arg13 : memref<!tpu.dma_semaphore, #tpu.memory_space<semaphore_mem>>)
      %dma_wait3A = arith.constant 0 : i32
      %dma_wait3A_124 = arith.constant 0 : i32
      %dma_wait3A_125 = tpu.memref_slice %arg2[%dma_wait3A, %dma_wait3A_124] : memref<10000x128xf32, #tpu.memory_space<hbm>> -> memref<10000x128xf32, #tpu.memory_space<hbm>>
      tpu.wait_indirect_dma semaphore(%arg13 : memref<!tpu.dma_semaphore, #tpu.memory_space<semaphore_mem>>) src(%dma_wait3A_125 : memref<10000x128xf32, #tpu.memory_space<hbm>>) dst(%arg10 : memref<128x128xf32, #tpu.memory_space<vmem>>)
      "tpu.region"() ({
        %run_scoped3A = tpu.sem_alloc : memref<!tpu.dma_semaphore, #tpu.memory_space<semaphore_mem>>
        %dma_start3A_131 = arith.constant 0 : i32
        %dma_start3A_132 = tpu.memref_slice %arg5[%mul3A_121, %dma_start3A_131] : memref<320000x128xf32, #tpu.memory_space<hbm>> -> memref<128x128xf32, #tpu.memory_space<hbm>>
        %dma_start3A_133 = arith.constant 0 : i32
        %dma_start3A_134 = tpu.memref_slice %arg5[%mul3A_121, %dma_start3A_133] : memref<320000x128xf32, #tpu.memory_space<hbm>> -> memref<128x128xf32, #tpu.memory_space<hbm>>
        tpu.enqueue_dma source(%dma_start3A_134 : memref<128x128xf32, #tpu.memory_space<hbm>>) target(%arg9 : memref<128x128xf32, #tpu.memory_space<vmem>>) target_semaphore(%run_scoped3A : memref<!tpu.dma_semaphore, #tpu.memory_space<semaphore_mem>>)
        %dma_wait3A_135 = arith.constant 0 : i32
        %dma_wait3A_136 = tpu.memref_slice %arg5[%mul3A_121, %dma_wait3A_135] : memref<320000x128xf32, #tpu.memory_space<hbm>> -> memref<128x128xf32, #tpu.memory_space<hbm>>
        %dma_wait3A_137 = arith.constant 0 : i32
        %dma_wait3A_138 = tpu.memref_slice %arg5[%mul3A_121, %dma_wait3A_137] : memref<320000x128xf32, #tpu.memory_space<hbm>> -> memref<128x128xf32, #tpu.memory_space<hbm>>
        tpu.wait_dma2 semaphore(%run_scoped3A : memref<!tpu.dma_semaphore, #tpu.memory_space<semaphore_mem>>) src(%dma_wait3A_138 : memref<128x128xf32, #tpu.memory_space<hbm>>) dst(%arg9 : memref<128x128xf32, #tpu.memory_space<vmem>>)
        tpu.yield
      }) : () -> ()
      %scan3A_126 = arith.constant 0 : i32
      %scan3A_127 = arith.constant 128 : i32
      %scan3A_128 = arith.addi %scan3A_126, %scan3A_127 : i32
      %scan3A_129 = arith.constant 1 : i32
      scf.for %scan3A_131 = %scan3A_126 to %scan3A_128 step %scan3A_129  : i32 {
        %mul3A_132 = arith.constant 1 : i32
        %mul3A_133 = arith.muli %scan3A_131, %mul3A_132 : i32
        %add3A_134 = arith.constant 0 : i32
        %add3A_135 = arith.addi %add3A_134, %mul3A_133 : i32
        %scan3A_136 = arith.constant 0 : i32
        %scan3A_137 = arith.constant 8 : i32
        %scan3A_138 = arith.addi %scan3A_136, %scan3A_137 : i32
        %scan3A_139 = arith.constant 1 : i32
        scf.for %scan3A_141 = %scan3A_136 to %scan3A_138 step %scan3A_139  : i32 {
          %mul3A_142 = arith.constant 16 : i32
          %mul3A_143 = arith.muli %scan3A_141, %mul3A_142 : i32
          %add3A_144 = arith.constant 0 : i32
          %add3A_145 = arith.addi %add3A_144, %mul3A_143 : i32
          %get3A = arith.index_cast %add3A_135 : i32 to index
          %get3A_146 = arith.index_cast %add3A_145 : i32 to index
          %get3A_147 = tpu.vector_load %arg10[%get3A, %get3A_146] {strides = array<i32>} : memref<128x128xf32, #tpu.memory_space<vmem>>, vector<1x16xf32>,
          %get3A_148 = vector.shape_cast %get3A_147 : vector<1x16xf32> to vector<16xf32>
          %get3A_149 = arith.index_cast %add3A_135 : i32 to index
          %get3A_150 = arith.index_cast %add3A_145 : i32 to index
          %get3A_151 = tpu.vector_load %arg9[%get3A_149, %get3A_150] {strides = array<i32>} : memref<128x128xf32, #tpu.memory_space<vmem>>, vector<1x16xf32>,
          %get3A_152 = vector.shape_cast %get3A_151 : vector<1x16xf32> to vector<16xf32>
          %mul3A_153 = arith.mulf %get3A_148, %get3A_152 : vector<16xf32>
          %swap3A = arith.index_cast %add3A_135 : i32 to index
          %swap3A_154 = arith.index_cast %add3A_145 : i32 to index
          %swap3A_155 = tpu.vector_load %arg10[%swap3A, %swap3A_154] {strides = array<i32>} : memref<128x128xf32, #tpu.memory_space<vmem>>, vector<1x16xf32>,
          %swap3A_156 = vector.shape_cast %swap3A_155 : vector<1x16xf32> to vector<16xf32>
          %swap3A_157 = vector.shape_cast %mul3A_153 : vector<16xf32> to vector<1x16xf32>
          tpu.vector_store %arg10[%swap3A, %swap3A_154], %swap3A_157 {strides = array<i32>} : memref<128x128xf32, #tpu.memory_space<vmem>>, vector<1x16xf32>,
        }
        %scan3A_140 = arith.constant 8 : i32
      }
      %scan3A_130 = arith.constant 128 : i32
      "tpu.region"() ({
        %run_scoped3A = tpu.sem_alloc : memref<!tpu.dma_semaphore, #tpu.memory_space<semaphore_mem>>
        %dma_start3A_131 = arith.constant 0 : i32
        %dma_start3A_132 = arith.constant 0 : i32
        %dma_start3A_133 = tpu.memref_slice %arg12[%dma_start3A_131, %dma_start3A_132] : memref<10000x128xf32, #tpu.memory_space<vmem_shared>> -> memref<10000x128xf32, #tpu.memory_space<vmem_shared>>
        tpu.enqueue_indirect_dma source(%arg10 : memref<128x128xf32, #tpu.memory_space<vmem>>) target(%dma_start3A_133 : memref<10000x128xf32, #tpu.memory_space<vmem_shared>>) offsets(%arg8 : memref<128xi32, #tpu.memory_space<vmem>>) semaphore(%run_scoped3A : memref<!tpu.dma_semaphore, #tpu.memory_space<semaphore_mem>>) {add = true}
        %dma_wait3A_134 = arith.constant 0 : i32
        %dma_wait3A_135 = arith.constant 0 : i32
        %dma_wait3A_136 = tpu.memref_slice %arg12[%dma_wait3A_134, %dma_wait3A_135] : memref<10000x128xf32, #tpu.memory_space<vmem_shared>> -> memref<10000x128xf32, #tpu.memory_space<vmem_shared>>
        tpu.wait_indirect_dma semaphore(%run_scoped3A : memref<!tpu.dma_semaphore, #tpu.memory_space<semaphore_mem>>) src(%arg10 : memref<128x128xf32, #tpu.memory_space<vmem>>) dst(%dma_wait3A_136 : memref<10000x128xf32, #tpu.memory_space<vmem_shared>>)
        tpu.yield
      }) : () -> ()
    }
    %while3A_93 = arith.constant 1 : i32
    scf.for %while3A_114 = %while3A_91 to %while3A_87 step %while3A_93  : i32 {
      %mul3A_115 = arith.muli %while3A_114, %while3A_83 : i32
      %add3A_116 = arith.addi %while3A_84, %mul3A_115 : i32
      %mul3A_117 = arith.constant 32 : i32
      %mul3A_118 = arith.muli %add3A_116, %mul3A_117 : i32
      %add3A_119 = arith.addi %add3A, %mul3A_118 : i32
      %mul3A_120 = arith.constant 128 : i32
      %mul3A_121 = arith.muli %add3A_119, %mul3A_120 : i32
      "tpu.region"() ({
        %run_scoped3A = tpu.sem_alloc : memref<!tpu.dma_semaphore, #tpu.memory_space<semaphore_mem>>
        %dma_start3A_131 = tpu.memref_slice %arg3[%mul3A_121] : memref<320000xi32, #tpu.memory_space<hbm>> -> memref<128xi32, #tpu.memory_space<hbm>>
        %dma_start3A_132 = tpu.memref_slice %arg3[%mul3A_121] : memref<320000xi32, #tpu.memory_space<hbm>> -> memref<128xi32, #tpu.memory_space<hbm>>
        tpu.enqueue_dma source(%dma_start3A_132 : memref<128xi32, #tpu.memory_space<hbm>>) target(%arg7 : memref<128xi32, #tpu.memory_space<vmem>>) target_semaphore(%run_scoped3A : memref<!tpu.dma_semaphore, #tpu.memory_space<semaphore_mem>>)
        %dma_wait3A_133 = tpu.memref_slice %arg3[%mul3A_121] : memref<320000xi32, #tpu.memory_space<hbm>> -> memref<128xi32, #tpu.memory_space<hbm>>
        %dma_wait3A_134 = tpu.memref_slice %arg3[%mul3A_121] : memref<320000xi32, #tpu.memory_space<hbm>> -> memref<128xi32, #tpu.memory_space<hbm>>
        tpu.wait_dma2 semaphore(%run_scoped3A : memref<!tpu.dma_semaphore, #tpu.memory_space<semaphore_mem>>) src(%dma_wait3A_134 : memref<128xi32, #tpu.memory_space<hbm>>) dst(%arg7 : memref<128xi32, #tpu.memory_space<vmem>>)
        tpu.yield
      }) : () -> ()
      "tpu.region"() ({
        %run_scoped3A = tpu.sem_alloc : memref<!tpu.dma_semaphore, #tpu.memory_space<semaphore_mem>>
        %dma_start3A_131 = tpu.memref_slice %arg4[%mul3A_121] : memref<320000xi32, #tpu.memory_space<hbm>> -> memref<128xi32, #tpu.memory_space<hbm>>
        %dma_start3A_132 = tpu.memref_slice %arg4[%mul3A_121] : memref<320000xi32, #tpu.memory_space<hbm>> -> memref<128xi32, #tpu.memory_space<hbm>>
        tpu.enqueue_dma source(%dma_start3A_132 : memref<128xi32, #tpu.memory_space<hbm>>) target(%arg8 : memref<128xi32, #tpu.memory_space<vmem>>) target_semaphore(%run_scoped3A : memref<!tpu.dma_semaphore, #tpu.memory_space<semaphore_mem>>)
        %dma_wait3A_133 = tpu.memref_slice %arg4[%mul3A_121] : memref<320000xi32, #tpu.memory_space<hbm>> -> memref<128xi32, #tpu.memory_space<hbm>>
        %dma_wait3A_134 = tpu.memref_slice %arg4[%mul3A_121] : memref<320000xi32, #tpu.memory_space<hbm>> -> memref<128xi32, #tpu.memory_space<hbm>>
        tpu.wait_dma2 semaphore(%run_scoped3A : memref<!tpu.dma_semaphore, #tpu.memory_space<semaphore_mem>>) src(%dma_wait3A_134 : memref<128xi32, #tpu.memory_space<hbm>>) dst(%arg8 : memref<128xi32, #tpu.memory_space<vmem>>)
        tpu.yield
      }) : () -> ()
      %dma_start3A = arith.constant 0 : i32
      %dma_start3A_122 = arith.constant 0 : i32
      %dma_start3A_123 = tpu.memref_slice %arg2[%dma_start3A, %dma_start3A_122] : memref<10000x128xf32, #tpu.memory_space<hbm>> -> memref<10000x128xf32, #tpu.memory_space<hbm>>
      tpu.enqueue_indirect_dma source(%dma_start3A_123 : memref<10000x128xf32, #tpu.memory_space<hbm>>) target(%arg10 : memref<128x128xf32, #tpu.memory_space<vmem>>) offsets(%arg7 : memref<128xi32, #tpu.memory_space<vmem>>) semaphore(%arg13 : memref<!tpu.dma_semaphore, #tpu.memory_space<semaphore_mem>>)
      %dma_wait3A = arith.constant 0 : i32
      %dma_wait3A_124 = arith.constant 0 : i32
      %dma_wait3A_125 = tpu.memref_slice %arg2[%dma_wait3A, %dma_wait3A_124] : memref<10000x128xf32, #tpu.memory_space<hbm>> -> memref<10000x128xf32, #tpu.memory_space<hbm>>
      tpu.wait_indirect_dma semaphore(%arg13 : memref<!tpu.dma_semaphore, #tpu.memory_space<semaphore_mem>>) src(%dma_wait3A_125 : memref<10000x128xf32, #tpu.memory_space<hbm>>) dst(%arg10 : memref<128x128xf32, #tpu.memory_space<vmem>>)
      "tpu.region"() ({
        %run_scoped3A = tpu.sem_alloc : memref<!tpu.dma_semaphore, #tpu.memory_space<semaphore_mem>>
        %dma_start3A_131 = arith.constant 0 : i32
        %dma_start3A_132 = tpu.memref_slice %arg5[%mul3A_121, %dma_start3A_131] : memref<320000x128xf32, #tpu.memory_space<hbm>> -> memref<128x128xf32, #tpu.memory_space<hbm>>
        %dma_start3A_133 = arith.constant 0 : i32
        %dma_start3A_134 = tpu.memref_slice %arg5[%mul3A_121, %dma_start3A_133] : memref<320000x128xf32, #tpu.memory_space<hbm>> -> memref<128x128xf32, #tpu.memory_space<hbm>>
        tpu.enqueue_dma source(%dma_start3A_134 : memref<128x128xf32, #tpu.memory_space<hbm>>) target(%arg9 : memref<128x128xf32, #tpu.memory_space<vmem>>) target_semaphore(%run_scoped3A : memref<!tpu.dma_semaphore, #tpu.memory_space<semaphore_mem>>)
        %dma_wait3A_135 = arith.constant 0 : i32
        %dma_wait3A_136 = tpu.memref_slice %arg5[%mul3A_121, %dma_wait3A_135] : memref<320000x128xf32, #tpu.memory_space<hbm>> -> memref<128x128xf32, #tpu.memory_space<hbm>>
        %dma_wait3A_137 = arith.constant 0 : i32
        %dma_wait3A_138 = tpu.memref_slice %arg5[%mul3A_121, %dma_wait3A_137] : memref<320000x128xf32, #tpu.memory_space<hbm>> -> memref<128x128xf32, #tpu.memory_space<hbm>>
        tpu.wait_dma2 semaphore(%run_scoped3A : memref<!tpu.dma_semaphore, #tpu.memory_space<semaphore_mem>>) src(%dma_wait3A_138 : memref<128x128xf32, #tpu.memory_space<hbm>>) dst(%arg9 : memref<128x128xf32, #tpu.memory_space<vmem>>)
        tpu.yield
      }) : () -> ()
      %scan3A_126 = arith.constant 0 : i32
      %scan3A_127 = arith.constant 128 : i32
      %scan3A_128 = arith.addi %scan3A_126, %scan3A_127 : i32
      %scan3A_129 = arith.constant 1 : i32
      scf.for %scan3A_131 = %scan3A_126 to %scan3A_128 step %scan3A_129  : i32 {
        %mul3A_132 = arith.constant 1 : i32
        %mul3A_133 = arith.muli %scan3A_131, %mul3A_132 : i32
        %add3A_134 = arith.constant 0 : i32
        %add3A_135 = arith.addi %add3A_134, %mul3A_133 : i32
        %scan3A_136 = arith.constant 0 : i32
        %scan3A_137 = arith.constant 8 : i32
        %scan3A_138 = arith.addi %scan3A_136, %scan3A_137 : i32
        %scan3A_139 = arith.constant 1 : i32
        scf.for %scan3A_141 = %scan3A_136 to %scan3A_138 step %scan3A_139  : i32 {
          %mul3A_142 = arith.constant 16 : i32
          %mul3A_143 = arith.muli %scan3A_141, %mul3A_142 : i32
          %add3A_144 = arith.constant 0 : i32
          %add3A_145 = arith.addi %add3A_144, %mul3A_143 : i32
          %get3A = arith.index_cast %add3A_135 : i32 to index
          %get3A_146 = arith.index_cast %add3A_145 : i32 to index
          %get3A_147 = tpu.vector_load %arg10[%get3A, %get3A_146] {strides = array<i32>} : memref<128x128xf32, #tpu.memory_space<vmem>>, vector<1x16xf32>,
          %get3A_148 = vector.shape_cast %get3A_147 : vector<1x16xf32> to vector<16xf32>
          %get3A_149 = arith.index_cast %add3A_135 : i32 to index
          %get3A_150 = arith.index_cast %add3A_145 : i32 to index
          %get3A_151 = tpu.vector_load %arg9[%get3A_149, %get3A_150] {strides = array<i32>} : memref<128x128xf32, #tpu.memory_space<vmem>>, vector<1x16xf32>,
          %get3A_152 = vector.shape_cast %get3A_151 : vector<1x16xf32> to vector<16xf32>
          %mul3A_153 = arith.mulf %get3A_148, %get3A_152 : vector<16xf32>
          %swap3A = arith.index_cast %add3A_135 : i32 to index
          %swap3A_154 = arith.index_cast %add3A_145 : i32 to index
          %swap3A_155 = tpu.vector_load %arg10[%swap3A, %swap3A_154] {strides = array<i32>} : memref<128x128xf32, #tpu.memory_space<vmem>>, vector<1x16xf32>,
          %swap3A_156 = vector.shape_cast %swap3A_155 : vector<1x16xf32> to vector<16xf32>
          %swap3A_157 = vector.shape_cast %mul3A_153 : vector<16xf32> to vector<1x16xf32>
          tpu.vector_store %arg10[%swap3A, %swap3A_154], %swap3A_157 {strides = array<i32>} : memref<128x128xf32, #tpu.memory_space<vmem>>, vector<1x16xf32>,
        }
        %scan3A_140 = arith.constant 8 : i32
      }
      %scan3A_130 = arith.constant 128 : i32
      "tpu.region"() ({
        %run_scoped3A = tpu.sem_alloc : memref<!tpu.dma_semaphore, #tpu.memory_space<semaphore_mem>>
        %dma_start3A_131 = arith.constant 0 : i32
        %dma_start3A_132 = arith.constant 0 : i32
        %dma_start3A_133 = tpu.memref_slice %arg12[%dma_start3A_131, %dma_start3A_132] : memref<10000x128xf32, #tpu.memory_space<vmem_shared>> -> memref<10000x128xf32, #tpu.memory_space<vmem_shared>>
        tpu.enqueue_indirect_dma source(%arg10 : memref<128x128xf32, #tpu.memory_space<vmem>>) target(%dma_start3A_133 : memref<10000x128xf32, #tpu.memory_space<vmem_shared>>) offsets(%arg8 : memref<128xi32, #tpu.memory_space<vmem>>) semaphore(%run_scoped3A : memref<!tpu.dma_semaphore, #tpu.memory_space<semaphore_mem>>) {add = true}
        %dma_wait3A_134 = arith.constant 0 : i32
        %dma_wait3A_135 = arith.constant 0 : i32
        %dma_wait3A_136 = tpu.memref_slice %arg12[%dma_wait3A_134, %dma_wait3A_135] : memref<10000x128xf32, #tpu.memory_space<vmem_shared>> -> memref<10000x128xf32, #tpu.memory_space<vmem_shared>>
        tpu.wait_indirect_dma semaphore(%run_scoped3A : memref<!tpu.dma_semaphore, #tpu.memory_space<semaphore_mem>>) src(%arg10 : memref<128x128xf32, #tpu.memory_space<vmem>>) dst(%dma_wait3A_136 : memref<10000x128xf32, #tpu.memory_space<vmem_shared>>)
        tpu.yield
      }) : () -> ()
    }
    %barrier3A_94 = arith.constant 0 : index
    tpu.barrier barrier_id(%barrier3A_94)
    %sub3A_95 = arith.constant 0 : i32
    %sub3A_96 = arith.subi %select_n3A, %sub3A_95 : i32
    %sub3A_97 = arith.constant 1 : i32
    %sub3A_98 = arith.constant 1 : i32
    %sub3A_99 = arith.subi %sub3A_97, %sub3A_98 : i32
    %add3A_100 = arith.addi %sub3A_96, %sub3A_99 : i32
    %div3A_101 = arith.constant 1 : i32
    %div3A_102 = arith.divsi %add3A_100, %div3A_101 : i32
    %while3A_103 = arith.constant 1 : i32
    %while3A_104 = arith.constant 0 : i32
    %while3A_105 = arith.constant 0 : i32
    %while3A_106 = arith.subi %div3A_102, %while3A_105 : i32
    %while3A_107 = arith.addi %while3A_105, %while3A_106 : i32
    %while3A_108 = arith.constant 1 : i32
    %while3A_109 = arith.divsi %while3A_106, %while3A_108 : i32
    %while3A_110 = arith.muli %while3A_109, %while3A_108 : i32
    %while3A_111 = arith.addi %while3A_105, %while3A_110 : i32
    %while3A_112 = arith.constant 1 : i32
    scf.for %while3A_114 = %while3A_105 to %while3A_111 step %while3A_112  : i32 {
      %mul3A_115 = arith.muli %while3A_114, %while3A_103 : i32
      %add3A_116 = arith.addi %while3A_104, %mul3A_115 : i32
      %mul3A_117 = arith.constant 16 : i32
      %mul3A_118 = arith.muli %add3A_116, %mul3A_117 : i32
      %add3A_119 = arith.addi %arg1, %mul3A_118 : i32
      %mul3A_120 = arith.constant 80 : i32
      %mul3A_121 = arith.muli %add3A_119, %mul3A_120 : i32
      "tpu.region"() ({
        %run_scoped3A = tpu.sem_alloc : memref<!tpu.dma_semaphore, #tpu.memory_space<semaphore_mem>>
        %dma_start3A = arith.constant 0 : i32
        %dma_start3A_122 = tpu.memref_slice %arg6[%arg0, %mul3A_121, %dma_start3A] : memref<2x10000x128xf32, #tpu.memory_space<hbm>> -> memref<1x80x128xf32, #tpu.memory_space<hbm>>
        %dma_start3A_123 = tpu.memref_squeeze %dma_start3A_122 : memref<1x80x128xf32, #tpu.memory_space<hbm>> -> memref<80x128xf32, #tpu.memory_space<hbm>>
        %dma_start3A_124 = arith.constant 0 : i32
        %dma_start3A_125 = tpu.memref_slice %arg12[%mul3A_121, %dma_start3A_124] : memref<10000x128xf32, #tpu.memory_space<vmem_shared>> -> memref<80x128xf32, #tpu.memory_space<vmem_shared>>
        tpu.enqueue_dma source(%dma_start3A_125 : memref<80x128xf32, #tpu.memory_space<vmem_shared>>) target(%dma_start3A_123 : memref<80x128xf32, #tpu.memory_space<hbm>>) target_semaphore(%run_scoped3A : memref<!tpu.dma_semaphore, #tpu.memory_space<semaphore_mem>>)
        %dma_wait3A = arith.constant 0 : i32
        %dma_wait3A_126 = tpu.memref_slice %arg6[%arg0, %mul3A_121, %dma_wait3A] : memref<2x10000x128xf32, #tpu.memory_space<hbm>> -> memref<1x80x128xf32, #tpu.memory_space<hbm>>
        %dma_wait3A_127 = tpu.memref_squeeze %dma_wait3A_126 : memref<1x80x128xf32, #tpu.memory_space<hbm>> -> memref<80x128xf32, #tpu.memory_space<hbm>>
        %dma_wait3A_128 = arith.constant 0 : i32
        %dma_wait3A_129 = tpu.memref_slice %arg12[%mul3A_121, %dma_wait3A_128] : memref<10000x128xf32, #tpu.memory_space<vmem_shared>> -> memref<80x128xf32, #tpu.memory_space<vmem_shared>>
        tpu.wait_dma2 semaphore(%run_scoped3A : memref<!tpu.dma_semaphore, #tpu.memory_space<semaphore_mem>>) src(%dma_wait3A_129 : memref<80x128xf32, #tpu.memory_space<vmem_shared>>) dst(%dma_wait3A_127 : memref<80x128xf32, #tpu.memory_space<hbm>>)
        tpu.yield
      }) : () -> ()
    }
    %while3A_113 = arith.constant 1 : i32
    scf.for %while3A_114 = %while3A_111 to %while3A_107 step %while3A_113  : i32 {
      %mul3A_115 = arith.muli %while3A_114, %while3A_103 : i32
      %add3A_116 = arith.addi %while3A_104, %mul3A_115 : i32
      %mul3A_117 = arith.constant 16 : i32
      %mul3A_118 = arith.muli %add3A_116, %mul3A_117 : i32
      %add3A_119 = arith.addi %arg1, %mul3A_118 : i32
      %mul3A_120 = arith.constant 80 : i32
      %mul3A_121 = arith.muli %add3A_119, %mul3A_120 : i32
      "tpu.region"() ({
        %run_scoped3A = tpu.sem_alloc : memref<!tpu.dma_semaphore, #tpu.memory_space<semaphore_mem>>
        %dma_start3A = arith.constant 0 : i32
        %dma_start3A_122 = tpu.memref_slice %arg6[%arg0, %mul3A_121, %dma_start3A] : memref<2x10000x128xf32, #tpu.memory_space<hbm>> -> memref<1x80x128xf32, #tpu.memory_space<hbm>>
        %dma_start3A_123 = tpu.memref_squeeze %dma_start3A_122 : memref<1x80x128xf32, #tpu.memory_space<hbm>> -> memref<80x128xf32, #tpu.memory_space<hbm>>
        %dma_start3A_124 = arith.constant 0 : i32
        %dma_start3A_125 = tpu.memref_slice %arg12[%mul3A_121, %dma_start3A_124] : memref<10000x128xf32, #tpu.memory_space<vmem_shared>> -> memref<80x128xf32, #tpu.memory_space<vmem_shared>>
        tpu.enqueue_dma source(%dma_start3A_125 : memref<80x128xf32, #tpu.memory_space<vmem_shared>>) target(%dma_start3A_123 : memref<80x128xf32, #tpu.memory_space<hbm>>) target_semaphore(%run_scoped3A : memref<!tpu.dma_semaphore, #tpu.memory_space<semaphore_mem>>)
        %dma_wait3A = arith.constant 0 : i32
        %dma_wait3A_126 = tpu.memref_slice %arg6[%arg0, %mul3A_121, %dma_wait3A] : memref<2x10000x128xf32, #tpu.memory_space<hbm>> -> memref<1x80x128xf32, #tpu.memory_space<hbm>>
        %dma_wait3A_127 = tpu.memref_squeeze %dma_wait3A_126 : memref<1x80x128xf32, #tpu.memory_space<hbm>> -> memref<80x128xf32, #tpu.memory_space<hbm>>
        %dma_wait3A_128 = arith.constant 0 : i32
        %dma_wait3A_129 = tpu.memref_slice %arg12[%mul3A_121, %dma_wait3A_128] : memref<10000x128xf32, #tpu.memory_space<vmem_shared>> -> memref<80x128xf32, #tpu.memory_space<vmem_shared>>
        tpu.wait_dma2 semaphore(%run_scoped3A : memref<!tpu.dma_semaphore, #tpu.memory_space<semaphore_mem>>) src(%dma_wait3A_129 : memref<80x128xf32, #tpu.memory_space<vmem_shared>>) dst(%dma_wait3A_127 : memref<80x128xf32, #tpu.memory_space<hbm>>)
        tpu.yield
      }) : () -> ()
    }
    return
  }
}

module attributes {stable_mosaic.version = 14 : i64} {
  func.func @_h_body(%arg0: memref<10000x128xf32, #tpu.memory_space<vmem>>, %arg1: memref<128x128xf32, #tpu.memory_space<vmem>>, %arg2: memref<1x128xf32, #tpu.memory_space<vmem>>, %arg3: memref<10000x128xf32, #tpu.memory_space<vmem>>) attributes {dimension_semantics = [], scalar_prefetch = 0 : i64, scratch_operands = 0 : i64, tpu.core_type = #tpu.core_type<tc>} {
    %get3A = arith.constant 0 : index
    %get3A_0 = arith.constant 0 : index
    %get3A_1 = vector.load %arg0[%get3A, %get3A_0] : memref<10000x128xf32, #tpu.memory_space<vmem>>, vector<10000x128xf32>
    %get3A_2 = arith.constant 0 : index
    %get3A_3 = arith.constant 0 : index
    %get3A_4 = vector.load %arg1[%get3A_2, %get3A_3] : memref<128x128xf32, #tpu.memory_space<vmem>>, vector<128x128xf32>
    %dot_general3A = arith.constant dense<0.000000e+00> : vector<10000x128xf32>
    %dot_general3A_5 = tpu.matmul %get3A_1, %get3A_4, %dot_general3A {dimension_numbers = #tpu.dot_dimension_numbers<[1], [0], [0], [1], [0, 0, 1, 1], [], []>, transpose_lhs_hint = false} : vector<10000x128xf32>, vector<128x128xf32>, vector<10000x128xf32> -> vector<10000x128xf32>
    %get3A_6 = arith.constant 0 : index
    %get3A_7 = arith.constant 0 : index
    %get3A_8 = vector.load %arg2[%get3A_6, %get3A_7] : memref<1x128xf32, #tpu.memory_space<vmem>>, vector<1x128xf32>
    %add3A = vector.broadcast %get3A_8 : vector<1x128xf32> to vector<10000x128xf32>
    %add3A_9 = arith.addf %dot_general3A_5, %add3A : vector<10000x128xf32>
    %swap3A = arith.constant 0 : index
    %swap3A_10 = arith.constant 0 : index
    %swap3A_11 = vector.load %arg3[%swap3A, %swap3A_10] : memref<10000x128xf32, #tpu.memory_space<vmem>>, vector<10000x128xf32>
    tpu.vector_store %arg3[%swap3A, %swap3A_10], %add3A_9 {strides = array<i32>} : memref<10000x128xf32, #tpu.memory_space<vmem>>, vector<10000x128xf32>,
    return
  }
}

module attributes {stable_mosaic.version = 14 : i64} {
  func.func @_ef_body(%arg0: i32, %arg1: memref<2000x16xf32, #tpu.memory_space<vmem>>, %arg2: memref<2000x1xf32, #tpu.memory_space<vmem>>, %arg3: memref<16x128xf32, #tpu.memory_space<vmem>>, %arg4: memref<1x128xf32, #tpu.memory_space<vmem>>, %arg5: memref<128x128xf32, #tpu.memory_space<vmem>>, %arg6: memref<1x128xf32, #tpu.memory_space<vmem>>, %arg7: memref<2000x128xf32, #tpu.memory_space<vmem>>) attributes {dimension_semantics = [#tpu.dimension_semantics<arbitrary>], iteration_bounds = array<i64: 160>, scalar_prefetch = 0 : i64, scratch_operands = 0 : i64, tpu.core_type = #tpu.core_type<tc>, window_params = [{transform_indices = @transform_0, window_bounds = array<i64: 2000, 16>}, {transform_indices = @transform_1, window_bounds = array<i64: 2000, 1>}, {pipeline_mode = #tpu.pipeline_mode<synchronous>, transform_indices = @transform_2, window_bounds = array<i64: 16, 128>}, {pipeline_mode = #tpu.pipeline_mode<synchronous>, transform_indices = @transform_3, window_bounds = array<i64: 1, 128>}, {pipeline_mode = #tpu.pipeline_mode<synchronous>, transform_indices = @transform_4, window_bounds = array<i64: 128, 128>}, {pipeline_mode = #tpu.pipeline_mode<synchronous>, transform_indices = @transform_5, window_bounds = array<i64: 1, 128>}, {transform_indices = @transform_6, window_bounds = array<i64: 2000, 128>}]} {
    %get3A = arith.constant 0 : index
    %get3A_0 = arith.constant 0 : index
    %get3A_1 = vector.load %arg1[%get3A, %get3A_0] : memref<2000x16xf32, #tpu.memory_space<vmem>>, vector<2000x16xf32>
    %get3A_2 = arith.constant 0 : index
    %get3A_3 = arith.constant 0 : index
    %get3A_4 = vector.load %arg3[%get3A_2, %get3A_3] : memref<16x128xf32, #tpu.memory_space<vmem>>, vector<16x128xf32>
    %dot_general3A = arith.constant dense<0.000000e+00> : vector<2000x128xf32>
    %dot_general3A_5 = tpu.matmul %get3A_1, %get3A_4, %dot_general3A {dimension_numbers = #tpu.dot_dimension_numbers<[1], [0], [0], [1], [0, 0, 1, 1], [], []>, transpose_lhs_hint = false} : vector<2000x16xf32>, vector<16x128xf32>, vector<2000x128xf32> -> vector<2000x128xf32>
    %get3A_6 = arith.constant 0 : index
    %get3A_7 = arith.constant 0 : index
    %get3A_8 = vector.load %arg4[%get3A_6, %get3A_7] : memref<1x128xf32, #tpu.memory_space<vmem>>, vector<1x128xf32>
    %add3A = vector.broadcast %get3A_8 : vector<1x128xf32> to vector<2000x128xf32>
    %add3A_9 = arith.addf %dot_general3A_5, %add3A : vector<2000x128xf32>
    %custom_jvp_call3A = arith.constant 0.000000e+00 : f32
    %max3A = vector.broadcast %custom_jvp_call3A : f32 to vector<2000x128xf32>
    %max3A_10 = arith.maximumf %add3A_9, %max3A : vector<2000x128xf32>
    %sub3A = vector.broadcast %custom_jvp_call3A : f32 to vector<2000x128xf32>
    %sub3A_11 = arith.subf %add3A_9, %sub3A : vector<2000x128xf32>
    %ne3A = arith.cmpf one, %sub3A_11, %sub3A_11 : vector<2000x128xf32>
    %add3A_12 = vector.broadcast %custom_jvp_call3A : f32 to vector<2000x128xf32>
    %add3A_13 = arith.addf %add3A_9, %add3A_12 : vector<2000x128xf32>
    %abs3A = math.absf %sub3A_11 : vector<2000x128xf32>
    %neg3A = arith.constant 0.000000e+00 : f32
    %neg3A_14 = vector.broadcast %neg3A : f32 to vector<2000x128xf32>
    %neg3A_15 = arith.subf %neg3A_14, %abs3A : vector<2000x128xf32>
    %exp3A = math.exp %neg3A_15 : vector<2000x128xf32>
    %log1p3A = math.log1p %exp3A : vector<2000x128xf32>
    %add3A_16 = arith.addf %max3A_10, %log1p3A : vector<2000x128xf32>
    %select_n3A = arith.select %ne3A, %add3A_13, %add3A_16 : vector<2000x128xi1>, vector<2000x128xf32>
    %log3A = arith.constant 2.000000e+00 : f32
    %log3A_17 = math.log %log3A : f32
    %sub3A_18 = vector.broadcast %log3A_17 : f32 to vector<2000x128xf32>
    %sub3A_19 = arith.subf %select_n3A, %sub3A_18 : vector<2000x128xf32>
    %get3A_20 = arith.constant 0 : index
    %get3A_21 = arith.constant 0 : index
    %get3A_22 = vector.load %arg5[%get3A_20, %get3A_21] : memref<128x128xf32, #tpu.memory_space<vmem>>, vector<128x128xf32>
    %dot_general3A_23 = arith.constant dense<0.000000e+00> : vector<2000x128xf32>
    %dot_general3A_24 = tpu.matmul %sub3A_19, %get3A_22, %dot_general3A_23 {dimension_numbers = #tpu.dot_dimension_numbers<[1], [0], [0], [1], [0, 0, 1, 1], [], []>, transpose_lhs_hint = false} : vector<2000x128xf32>, vector<128x128xf32>, vector<2000x128xf32> -> vector<2000x128xf32>
    %get3A_25 = arith.constant 0 : index
    %get3A_26 = arith.constant 0 : index
    %get3A_27 = vector.load %arg6[%get3A_25, %get3A_26] : memref<1x128xf32, #tpu.memory_space<vmem>>, vector<1x128xf32>
    %add3A_28 = vector.broadcast %get3A_27 : vector<1x128xf32> to vector<2000x128xf32>
    %add3A_29 = arith.addf %dot_general3A_24, %add3A_28 : vector<2000x128xf32>
    %get3A_30 = arith.constant 0 : index
    %get3A_31 = arith.constant 0 : index
    %get3A_32 = vector.load %arg2[%get3A_30, %get3A_31] : memref<2000x1xf32, #tpu.memory_space<vmem>>, vector<2000x1xf32>
    %mul3A = arith.constant 0.314159274 : f32
    %mul3A_33 = vector.broadcast %mul3A : f32 to vector<2000x1xf32>
    %mul3A_34 = arith.mulf %get3A_32, %mul3A_33 : vector<2000x1xf32>
    %cos3A = math.cos %mul3A_34 : vector<2000x1xf32>
    %add3A_35 = arith.constant 1.000000e+00 : f32
    %add3A_36 = vector.broadcast %add3A_35 : f32 to vector<2000x1xf32>
    %add3A_37 = arith.addf %cos3A, %add3A_36 : vector<2000x1xf32>
    %mul3A_38 = arith.constant 5.000000e-01 : f32
    %mul3A_39 = vector.broadcast %mul3A_38 : f32 to vector<2000x1xf32>
    %mul3A_40 = arith.mulf %mul3A_39, %add3A_37 : vector<2000x1xf32>
    %mul3A_41 = vector.broadcast %mul3A_40 : vector<2000x1xf32> to vector<2000x128xf32>
    %mul3A_42 = arith.mulf %add3A_29, %mul3A_41 : vector<2000x128xf32>
    %swap3A = arith.constant 0 : index
    %swap3A_43 = arith.constant 0 : index
    %swap3A_44 = vector.load %arg7[%swap3A, %swap3A_43] : memref<2000x128xf32, #tpu.memory_space<vmem>>, vector<2000x128xf32>
    tpu.vector_store %arg7[%swap3A, %swap3A_43], %mul3A_42 {strides = array<i32>} : memref<2000x128xf32, #tpu.memory_space<vmem>>, vector<2000x128xf32>,
    return
  }
  func.func @transform_0(%arg0: i32) -> (i32, i32) {
    %c0_i32 = arith.constant 0 : i32
    %c0_i32_0 = arith.constant 0 : i32
    return %arg0, %c0_i32 : i32, i32
  }
  func.func @transform_1(%arg0: i32) -> (i32, i32) {
    %c0_i32 = arith.constant 0 : i32
    %c0_i32_0 = arith.constant 0 : i32
    return %arg0, %c0_i32 : i32, i32
  }
  func.func @transform_2(%arg0: i32) -> (i32, i32) {
    %c0_i32 = arith.constant 0 : i32
    %c0_i32_0 = arith.constant 0 : i32
    %c0_i32_1 = arith.constant 0 : i32
    return %c0_i32, %c0_i32_0 : i32, i32
  }
  func.func @transform_3(%arg0: i32) -> (i32, i32) {
    %c0_i32 = arith.constant 0 : i32
    %c0_i32_0 = arith.constant 0 : i32
    %c0_i32_1 = arith.constant 0 : i32
    return %c0_i32, %c0_i32_0 : i32, i32
  }
  func.func @transform_4(%arg0: i32) -> (i32, i32) {
    %c0_i32 = arith.constant 0 : i32
    %c0_i32_0 = arith.constant 0 : i32
    %c0_i32_1 = arith.constant 0 : i32
    return %c0_i32, %c0_i32_0 : i32, i32
  }
  func.func @transform_5(%arg0: i32) -> (i32, i32) {
    %c0_i32 = arith.constant 0 : i32
    %c0_i32_0 = arith.constant 0 : i32
    %c0_i32_1 = arith.constant 0 : i32
    return %c0_i32, %c0_i32_0 : i32, i32
  }
  func.func @transform_6(%arg0: i32) -> (i32, i32) {
    %c0_i32 = arith.constant 0 : i32
    %c0_i32_0 = arith.constant 0 : i32
    return %arg0, %c0_i32 : i32, i32
  }
}

module attributes {stable_mosaic.version = 14 : i64} {
  func.func @_final_body(%arg0: memref<2x10000x128xf32, #tpu.memory_space<vmem>>, %arg1: memref<10000x128xf32, #tpu.memory_space<vmem>>, %arg2: memref<128x128xf32, #tpu.memory_space<vmem>>, %arg3: memref<1x128xf32, #tpu.memory_space<vmem>>, %arg4: memref<128x128xf32, #tpu.memory_space<vmem>>, %arg5: memref<1x128xf32, #tpu.memory_space<vmem>>, %arg6: memref<10000x128xf32, #tpu.memory_space<vmem>>) attributes {dimension_semantics = [], scalar_prefetch = 0 : i64, scratch_operands = 0 : i64, tpu.core_type = #tpu.core_type<tc>} {
    %get3A = arith.constant 0 : index
    %get3A_0 = arith.constant 0 : index
    %get3A_1 = arith.constant 0 : index
    %get3A_2 = vector.load %arg0[%get3A, %get3A_0, %get3A_1] : memref<2x10000x128xf32, #tpu.memory_space<vmem>>, vector<1x10000x128xf32>
    %get3A_3 = vector.shape_cast %get3A_2 : vector<1x10000x128xf32> to vector<10000x128xf32>
    %get3A_4 = arith.constant 1 : index
    %get3A_5 = arith.constant 0 : index
    %get3A_6 = arith.constant 0 : index
    %get3A_7 = vector.load %arg0[%get3A_4, %get3A_5, %get3A_6] : memref<2x10000x128xf32, #tpu.memory_space<vmem>>, vector<1x10000x128xf32>
    %get3A_8 = vector.shape_cast %get3A_7 : vector<1x10000x128xf32> to vector<10000x128xf32>
    %add3A = arith.addf %get3A_3, %get3A_8 : vector<10000x128xf32>
    %get3A_9 = arith.constant 0 : index
    %get3A_10 = arith.constant 0 : index
    %get3A_11 = vector.load %arg2[%get3A_9, %get3A_10] : memref<128x128xf32, #tpu.memory_space<vmem>>, vector<128x128xf32>
    %dot_general3A = arith.constant dense<0.000000e+00> : vector<10000x128xf32>
    %dot_general3A_12 = tpu.matmul %add3A, %get3A_11, %dot_general3A {dimension_numbers = #tpu.dot_dimension_numbers<[1], [0], [0], [1], [0, 0, 1, 1], [], []>, transpose_lhs_hint = false} : vector<10000x128xf32>, vector<128x128xf32>, vector<10000x128xf32> -> vector<10000x128xf32>
    %get3A_13 = arith.constant 0 : index
    %get3A_14 = arith.constant 0 : index
    %get3A_15 = vector.load %arg3[%get3A_13, %get3A_14] : memref<1x128xf32, #tpu.memory_space<vmem>>, vector<1x128xf32>
    %add3A_16 = vector.broadcast %get3A_15 : vector<1x128xf32> to vector<10000x128xf32>
    %add3A_17 = arith.addf %dot_general3A_12, %add3A_16 : vector<10000x128xf32>
    %add3A_18 = arith.addf %add3A_17, %add3A_17 : vector<10000x128xf32>
    %custom_jvp_call3A = arith.constant 0.000000e+00 : f32
    %max3A = vector.broadcast %custom_jvp_call3A : f32 to vector<10000x128xf32>
    %max3A_19 = arith.maximumf %add3A_18, %max3A : vector<10000x128xf32>
    %sub3A = vector.broadcast %custom_jvp_call3A : f32 to vector<10000x128xf32>
    %sub3A_20 = arith.subf %add3A_18, %sub3A : vector<10000x128xf32>
    %ne3A = arith.cmpf one, %sub3A_20, %sub3A_20 : vector<10000x128xf32>
    %add3A_21 = vector.broadcast %custom_jvp_call3A : f32 to vector<10000x128xf32>
    %add3A_22 = arith.addf %add3A_18, %add3A_21 : vector<10000x128xf32>
    %abs3A = math.absf %sub3A_20 : vector<10000x128xf32>
    %neg3A = arith.constant 0.000000e+00 : f32
    %neg3A_23 = vector.broadcast %neg3A : f32 to vector<10000x128xf32>
    %neg3A_24 = arith.subf %neg3A_23, %abs3A : vector<10000x128xf32>
    %exp3A = math.exp %neg3A_24 : vector<10000x128xf32>
    %log1p3A = math.log1p %exp3A : vector<10000x128xf32>
    %add3A_25 = arith.addf %max3A_19, %log1p3A : vector<10000x128xf32>
    %select_n3A = arith.select %ne3A, %add3A_22, %add3A_25 : vector<10000x128xi1>, vector<10000x128xf32>
    %log3A = arith.constant 2.000000e+00 : f32
    %log3A_26 = math.log %log3A : f32
    %sub3A_27 = vector.broadcast %log3A_26 : f32 to vector<10000x128xf32>
    %sub3A_28 = arith.subf %select_n3A, %sub3A_27 : vector<10000x128xf32>
    %get3A_29 = arith.constant 0 : index
    %get3A_30 = arith.constant 0 : index
    %get3A_31 = vector.load %arg4[%get3A_29, %get3A_30] : memref<128x128xf32, #tpu.memory_space<vmem>>, vector<128x128xf32>
    %dot_general3A_32 = arith.constant dense<0.000000e+00> : vector<10000x128xf32>
    %dot_general3A_33 = tpu.matmul %sub3A_28, %get3A_31, %dot_general3A_32 {dimension_numbers = #tpu.dot_dimension_numbers<[1], [0], [0], [1], [0, 0, 1, 1], [], []>, transpose_lhs_hint = false} : vector<10000x128xf32>, vector<128x128xf32>, vector<10000x128xf32> -> vector<10000x128xf32>
    %get3A_34 = arith.constant 0 : index
    %get3A_35 = arith.constant 0 : index
    %get3A_36 = vector.load %arg5[%get3A_34, %get3A_35] : memref<1x128xf32, #tpu.memory_space<vmem>>, vector<1x128xf32>
    %add3A_37 = vector.broadcast %get3A_36 : vector<1x128xf32> to vector<10000x128xf32>
    %add3A_38 = arith.addf %dot_general3A_33, %add3A_37 : vector<10000x128xf32>
    %get3A_39 = arith.constant 0 : index
    %get3A_40 = arith.constant 0 : index
    %get3A_41 = vector.load %arg1[%get3A_39, %get3A_40] : memref<10000x128xf32, #tpu.memory_space<vmem>>, vector<10000x128xf32>
    %add3A_42 = arith.addf %add3A_38, %get3A_41 : vector<10000x128xf32>
    %swap3A = arith.constant 0 : index
    %swap3A_43 = arith.constant 0 : index
    %swap3A_44 = vector.load %arg6[%swap3A, %swap3A_43] : memref<10000x128xf32, #tpu.memory_space<vmem>>, vector<10000x128xf32>
    tpu.vector_store %arg6[%swap3A, %swap3A_43], %add3A_42 {strides = array<i32>} : memref<10000x128xf32, #tpu.memory_space<vmem>>, vector<10000x128xf32>,
    return
  }
}

</mosaic_0001>

<sc_bundles>
// kernel: kernel.6.cloned.1.call-start
scs
__scs_entry_jumppad:
0x0: {  	(pc) =	sbr.rel $0x88, $3  }
0x1: {  	(tag) =	ssettag $0x0;
	lr =	simm.s32 $0x1  }
0x2: {  	[smem:$0x3F93] =	sst lr;
	_ =	strace $0xD0000000  }
0x3: {  	_ = 	snop  }
0x4: {  	_ = 	snop  }
0x5: {  	_ = 	snop  }
0x6: {  	_ = 	snop  }
0x7: {  	_ = 	snop  }
__scs_overlays_trampoline_lowered:
0x8: {  	[smem:$0x3FA2] =	sst s0  }
0x9: {  	[smem:$0x3FA3] =	sst s1  }
0xa: {  	[smem:$0x3FA4] =	sst s2  }
0xb: {  	[smem:$0x3FA5] =	sst s3  }
0xc: {  	[smem:$0x3FA6] =	sst s4  }
0xd: {  	[smem:$0x3FA7] =	sst s5  }
0xe: {  	[smem:$0x3FA8] =	sst s6  }
0xf: {  	[smem:$0x3FA9] =	sst s7  }
0x10: {  	[smem:$0x3FAA] =	sst s8  }
0x11: {  	[smem:$0x3FAB] =	sst s9;
	s0 =	simm.s32 @!p0 $0x0  }
0x12: {  	s1 =	sld [smem:$0x3F91];
	s0 =	simm.s32 @p0 $0x1  }
0x13: {  	[smem:$0x3FAC] =	sst s0;
	s0 =	simm.s32 @!p1 $0x0  }
0x14: {  	s2 =	sld [smem:$0x3F90];
	s0 =	simm.s32 @p1 $0x1  }
0x15: {  	[smem:$0x3FAD] =	sst s0;
	s0 =	simm.s32 @!p2 $0x0  }
0x16: {  	s3 =	sld [smem:$0x3FDB];
	s0 =	simm.s32 @p2 $0x1  }
0x17: {  	s4 =	simm.s32 $0x1BF5;
	[smem:$0x3FAF] =	sst s0  }
0x18: {  	s0 =	sld [smem:$0x3F92];
	_ =	swait.ge [sflag:s4], $0x0  }
0x19: {  	s7 =	sld [smem:$0x3F93]  }
0x1a: {  	s8 =	sadd.s32 $0xFFFFE003, lr  }
0x1b: {  	s9 =	sadd.s32 $0xFFFFFEF7, lr;
	s5 =	simm.s32 $0xFFFFFFFF;
	p2 =	slt.u32 s8, $0xFFFFF086  }
0x1c: {  	p1 =	slt.u32 s9, $0xF7A;
	s5 =	simm.s32 @!p2 $0x0  }
0x1d: {  	s5 =	simm.s32 @p1 $0x1;
	p0 =	seq.s32 s7, s2  }
0x1e: {  	s7 =	smul.u32 @!p0 $0xF7A, s2;
	p2 =	seq.s32 @!p0 s5, $0x0  }
0x1f: {  	s9 =	smul.u32 $0xF7A, s1;
	s8 =	simm.s32 @!p0 $0x1BF5;
	p2 =	por !p2, p0  }
0x20: {  	[sflag:s8] =	ssyncset.s32 @!p0 $0xFFFFF086;
	s6 =	sadd.s32 @!p0 s3, s7;
	s7 =	simm.s32 @!p0 $0x108  }
0x21: {  	s3 =	sadd.s32 s3, s9;
	s6 =	sadd.s32 @!p0 $0x88, s6;
	s7 =	simm.s32 @p2 $0x1082  }
0x22: {  	[simem:s7], [sflag:s8] =	dma.local @!p0 [hbm:s6], $0xF7A  }
0x23: {  	s9 =	sor.u32 $0xD0000000, s2;
	s6 =	simm.s32 $0x108;
	_ =	swait.ge @!p0 [sflag:s8], $0x0  }
0x24: {  	s3 =	sadd.s32 $0x88, s3;
	s6 =	simm.s32 @!p1 $0x1082;
	[sflag:s4] =	ssyncset.s32 $0xFFFFF086  }
0x25: {  	[simem:s6], [sflag:s4] =	dma.local [hbm:s3], $0xF7A  }
0x26: {  	[smem:$0x3F93] =	sst s1;
	(tag) =	ssettag s2;
	_ =	strace s9  }
0x27: {  	s1 =	sld [smem:$0x3FA3]  }
0x28: {  	s2 =	sld [smem:$0x3FA4]  }
0x29: {  	s4 =	sld [smem:$0x3FA6]  }
0x2a: {  	p0 =	seq.s32 s5, $0x0;
	s5 =	sld [smem:$0x3FA7]  }
0x2b: {  	s6 =	sld [smem:$0x3FA8]  }
0x2c: {  	s7 =	sld [smem:$0x3FA9]  }
0x2d: {  	s3 =	simm.s32 $0x108;
	s8 =	sld [smem:$0x3FAA]  }
0x2e: {  	s3 =	simm.s32 @!p0 $0x1082;
	s9 =	sld [smem:$0x3FAB]  }
0x2f: {  	lr =	sadd.s32 s0, s3;
	s0 =	sld [smem:$0x3FA2]  }
0x30: {  	s3 =	sld [smem:$0x3FA5]  }
0x31: {  	[smem:$0x3FAE] =	sst s10  }
0x32: {  	s10 =	sld [smem:$0x3FAC];
	_ =	sdelay $0x3  }
0x33: {  	p0 =	seq.s32 s10, $0x1;
	s10 =	sld [smem:$0x3FAE];
	_ =	sdelay $0x3  }
0x34: {  	[smem:$0x3FAE] =	sst s10  }
0x35: {  	s10 =	sld [smem:$0x3FAD];
	_ =	sdelay $0x3  }
0x36: {  	p1 =	seq.s32 s10, $0x1;
	s10 =	sld [smem:$0x3FAE];
	_ =	sdelay $0x3  }
0x37: {  	[smem:$0x3FAE] =	sst s10  }
0x38: {  	s10 =	sld [smem:$0x3FAF]  }
0x39: {  	_ = 	snop;
	(pc) =	sbr.ind lr, $3  }
0x3a: {  	_ = 	snop  }
0x3b: {  	_ = 	snop  }
0x3c: {  	p2 =	seq.s32 s10, $0x1;
	s10 =	sld [smem:$0x3FAE]  }
0x3d: {  	_ =	shalt  }
0x3e: {  	_ =	shalt  }
0x3f: {  	_ =	shalt  }
0x40: {  	_ =	shalt  }
0x41: {  	_ =	shalt  }
0x42: {  	_ =	shalt  }
0x43: {  	_ =	shalt  }
0x44: {  	_ =	shalt  }
0x45: {  	_ =	shalt  }
0x46: {  	_ =	shalt  }
0x47: {  	_ =	shalt  }
0x48: {  	_ =	shalt  }
0x49: {  	_ =	shalt  }
0x4a: {  	_ =	shalt  }
0x4b: {  	_ =	shalt  }
0x4c: {  	_ =	shalt  }
0x4d: {  	_ =	shalt  }
0x4e: {  	_ =	shalt  }
0x4f: {  	_ =	shalt  }
0x50: {  	_ =	shalt  }
0x51: {  	_ =	shalt  }
0x52: {  	_ =	shalt  }
0x53: {  	_ =	shalt  }
0x54: {  	_ =	shalt  }
0x55: {  	_ =	shalt  }
0x56: {  	_ =	shalt  }
0x57: {  	_ =	shalt  }
0x58: {  	_ =	shalt  }
0x59: {  	_ =	shalt  }
0x5a: {  	_ =	shalt  }
0x5b: {  	_ =	shalt  }
0x5c: {  	_ =	shalt  }
0x5d: {  	_ =	shalt  }
0x5e: {  	_ =	shalt  }
0x5f: {  	_ =	shalt  }
0x60: {  	_ =	shalt  }
0x61: {  	_ =	shalt  }
0x62: {  	_ =	shalt  }
0x63: {  	_ =	shalt  }
0x64: {  	_ =	shalt  }
0x65: {  	_ =	shalt  }
0x66: {  	_ =	shalt  }
0x67: {  	_ =	shalt  }
0x68: {  	_ =	shalt  }
0x69: {  	_ =	shalt  }
0x6a: {  	_ =	shalt  }
0x6b: {  	_ =	shalt  }
0x6c: {  	_ =	shalt  }
0x6d: {  	_ =	shalt  }
0x6e: {  	_ =	shalt  }
0x6f: {  	_ =	shalt  }
0x70: {  	_ =	shalt  }
0x71: {  	_ =	shalt  }
0x72: {  	_ =	shalt  }
0x73: {  	_ =	shalt  }
0x74: {  	_ =	shalt  }
0x75: {  	_ =	shalt  }
0x76: {  	_ =	shalt  }
0x77: {  	_ =	shalt  }
0x78: {  	_ =	shalt  }
0x79: {  	_ =	shalt  }
0x7a: {  	_ =	shalt  }
0x7b: {  	_ =	shalt  }
0x7c: {  	_ =	shalt  }
0x7d: {  	_ =	shalt  }
0x7e: {  	_ =	shalt  }
0x7f: {  	_ =	shalt  }
0x80: {  	_ =	shalt  }
0x81: {  	_ =	shalt  }
0x82: {  	_ =	shalt  }
0x83: {  	_ =	shalt  }
0x84: {  	_ =	shalt  }
0x85: {  	_ =	shalt  }
0x86: {  	_ =	shalt  }
0x87: {  	_ =	shalt  }
.Lfunc_end0:
.L_simem_size_0:
called_computation_lowered:
.L_overlay_start_0:
0x88: {  	s2 =	sld [smem:$0x3FD9]  }
0x89: {  	s3 =	sld [smem:$0x3FFE];
	_ =	sdelay $0x1  }
0x8a: {  	s1 =	srdreg.scid  }
0x8b: {  	s0 =	sand.u32 $0x1, s1  }
0x8c: {  	s17 =	sshll.u32 s0, $0xA;
	s2 =	sadd.s32 s3, s2  }
0x8d: {  	s2 =	sadd.s32 s2, s17  }
0x8e: {  	[smem:$0x3FBA] =	sst s2  }
0x8f: {  	_ = 	snop  }
0x90: {  	s2 =	sld [smem:$0x3FD0];
	(tm) =	ssettm $0x1  }
0x91: {  	s18 =	sld [smem:$0x3FFB];
	_ =	sdelay $0x3  }
0x92: {  	_ =	strace s18  }
0x93: {  	s3 =	sld [smem:$0x3FFC];
	_ =	sdelay $0x3  }
0x94: {  	_ =	strace s3  }
0x95: {  	s3 =	sld [smem:$0x3FFD];
	_ =	sdelay $0x3  }
0x96: {  	_ =	strace s3  }
0x97: {  	_ =	strace $0x8FFFFFFF  }
0x98: {  	s19 =	sld [smem:$0x3FDB];
	_ =	sdelay $0x1  }
0x99: {  	s4 =	simm.s32 $_scs_section_size  }
0x9a: {  	s5 =	simm.s32 $_size__tile_overlayer_lowered;
	s6 =	simm.s32 $_tile_overlayer_lowered  }
0x9b: {  	s22 =	simm.s32 $0x1BFF;
	s21 =	sshll.u32 s6, $0x1;
	s3 =	sadd.s32 s4, s19  }
0x9c: {  	s7 =	simm.s32 $0x0;
	s20 =	sshll.u32 s5, $0x1;
	s5 =	sadd.s32 s21, s3  }
0x9d: {  	[timem:s7], [sflag:s22] =	dma.local [hbm:s5], s20  }
0x9e: {  	_ =	swait.ge [sflag:s22], s20  }
0x9f: {  	s4 =	ssub.s32 $0x0, s20;
	[sflag:s22] =	ssyncset.done $0x0  }
0xa0: {  	[sflag:s22] =	ssyncadd.s32 s4;
	_ =	sdelay $0x1  }
0xa1: {  	s23 =	simm.s32 $0x1B8B  }
0xa2: {  	_ =	swait.ge [sflag:s23], $0x1  }
0xa3: {  	[sflag:s23] =	ssyncset.done $0x0  }
0xa4: {  	s25 =	simm.s32 $0x1B8E;
	s24 =	sld [smem:$0x3FFE];
	[sflag:s23] =	ssyncadd.s32 $0xFFFFFFFF  }
0xa5: {  	s26 =	simm.s32 $execute0_lowered;
	[smem:$0x3FD2] =	sst s25  }
0xa6: {  	s5 =	sshll.u32 s26, $0x1;
	_ =	strace $0x80000046;
	[dreg:$0x1] =	wrdreg $0xFFFFFFFF  }
0xa7: {  	s28 =	simm.s32 $_size_execute0_lowered;
	s3 =	sadd.s32 s3, s5;
	[dreg:$0x0] =	wrdreg $0x0  }
0xa8: {  	s5 =	sshll.u32 s28, $0x1;
	[dreg:$0x2] =	wrdreg s3  }
0xa9: {  	[dreg:$0x3] =	wrdreg s5  }
0xaa: {  	[dreg:$0x4] =	wrdreg $0xC0  }
0xab: {  	_ =	task [dreg:s7], $0x5FFFF  }
0xac: {  	[dreg:$0x1] =	wrdreg $0xFFFFFFFF  }
0xad: {  	[dreg:$0x0] =	wrdreg $0x60  }
0xae: {  	[dreg:$0x2] =	wrdreg s2  }
0xaf: {  	[dreg:$0x3] =	wrdreg s24  }
0xb0: {  	[dreg:$0x4] =	wrdreg $0xA9000  }
0xb1: {  	[dreg:$0x5] =	wrdreg $0x9  }
0xb2: {  	_ =	task.clear_ibuf [dreg:s7], $0x6FFFF;
	_ =	strace $0x90000046  }
0xb3: {  	s29 =	simm.s32 $0x9;
	_ =	strace $0x80000048  }
0xb4: {  	_ =	swait.ge [sflag:s29], $0x1  }
0xb5: {  	[sflag:s29] =	ssyncadd.s32 $0xFFFFFFFF  }
0xb6: {  	_ =	strace $0x90000048  }
0xb7: {  	_ =	sfence  }
0xb8: {  	s30 =	sld [smem:$0x0];
	_ =	sdelay $0x2  }
0xb9: {  	s31 =	sshll.u32 s1, $0xD;
	s1 =	sshrl.u32 s1, $0x2  }
0xba: {  	s3 =	sand.u32 $0x4000, s31;
	s1 =	sadd.s32 s1, s30  }
0xbb: {  	s0 =	sor.u32 s3, s0;
	s1 =	sshll.u32 s1, $0x11  }
0xbc: {  	s0 =	sor.u32 s1, s0  }
0xbd: {  	s0 =	sadd.s32 $0x8F2B, s0  }
0xbe: {  	[sflag:s0] =	ssyncadd.remote.s32 $0x1  }
0xbf: {  	_ =	sfence.sel $0xFFFF  }
0xc0: {  	[dreg:$0x0] =	wrdreg $0xFFFFFFFF;
	(pc) =	sbr.abs _section_cstart, $3  }
0xc1: {  	[dreg:$0x1] =	wrdreg $0xFFFFFFFF  }
0xc2: {  	_ =	task.clear_ibuf [dreg:s7], $0x2FFFF;
	_ =	strace $0x9FFFFFFF  }
0xc3: {  	(tm) =	ssettm $0x7FFFFFFF  }
tec
execute0_lowered:
.L_overlay_start_1:
0x0: {  	(tag) =	ssettag $0x1  }
0x1: {  	s1 =	rddreg [dreg:$0x0]  }
0x2: {  	s8 =	rddreg [dreg:$0x1]  }
0x3: {  	s2 =	rddreg [dreg:$0x2]  }
0x4: {  	s3 =	srdreg.scid;
	s0 =	rddreg [dreg:$0x3];
	s4 =	simm.s32 $0x0  }
0x5: {  	s14 =	simm.s32 $0x8100;
	s15 =	simm.s32 $0x2;
	s16 =	simm.s32 $0x80  }
0x6: {  	s17 =	simm.s32 $0x4100;
	s18 =	simm.s32 $0x1;
	s19 =	simm.s32 $0x100  }
0x7: {  	s9 =	sand.u32 $0x1, s3;
	s3 =	stileid.u32;
	[smem:$0x7FF] =	sst s4  }
0x8: {  	s5 =	sadd.s32 $0xD000, s8;
	s6 =	sadd.s32 $0x3200, s8;
	s7 =	smul.u32 $0x138800, s9  }
0x9: {  	s10 =	smul.u32 $0x2800, s3;
	_ =	strace $0x80000047;
	s11 =	ssub.s32 $0x2, s9  }
0xa: {  	s9 =	sshll.u32 s9, $0x4;
	s30 =	ssub.s32 $0x8C, s3;
	s12 =	smul.u32 $0xA000, s3  }
0xb: {  	s29 =	sshrl.u32 s11, $0x1;
	s9 =	sor.u32 s3, s9;
	s10 =	sadd.s32 s10, s7  }
0xc: {  	s7 =	sadd.s32 $0x9DAE00, s8;
	s11 =	ssub.s32 s11, s29;
	s31 =	ssub.s32 $0x9E3, s9  }
0xd: {  	s9 =	sshll.u32 s9, $0x7;
	s12 =	sshrl.u32 s12, $0x2;
	s10 =	sshrl.u32 s10, $0x3  }
0xe: {  	s11 =	smax.u32 s11, $0x1;
	s12 =	sadd.s32 s12, s2;
	s13 =	sadd.s32 s10, s8  }
0xf: {  	v0 =	vimm.f32 $0.0e+00;
	s8 =	sshrl.u32 s30, $0x4;
	s10 =	sshrl.u32 s31, $0x5;
	s13 =	sadd.s32 $0x16E00, s13  }
.LBB2_1:
0x10: {  	s20 =	simm.s32 $0x70;
	s21 =	simm.s32 $0x3C0  }
.LBB2_2:
0x11: {  	p0 =	sne.s32 s21, $0x9FC0;
	[tilespmem:s20+$0x8100] =	vst v0  }
0x12: {  	[tilespmem:s20+$0x8090] =	vst v0  }
0x13: {  	[tilespmem:s20+$0x80A0] =	vst v0  }
.Ltmp0:
0x14: {  	[tilespmem:s20+$0x80B0] =	vst v0;
	(pc) =	sbr.rel @p0 .LBB2_2-.Ltmp0, $4  }
0x15: {  	[tilespmem:s20+$0x80C0] =	vst v0  }
0x16: {  	[tilespmem:s20+$0x80D0] =	vst v0  }
0x17: {  	[tilespmem:s20+$0x80E0] =	vst v0  }
0x18: {  	[tilespmem:s20+$0x80F0] =	vst v0;
	s20 =	sshra.s32 s21, $0x2;
	s21 =	sadd.s32 $0x200, s21  }
0x19: {  	[tilespmem:s20+$0x8100] =	vst v0  }
0x1a: {  	[tilespmem:s20+$0x8090] =	vst v0  }
0x1b: {  	[tilespmem:s20+$0x80A0] =	vst v0  }
0x1c: {  	[tilespmem:s20+$0x80B0] =	vst v0  }
0x1d: {  	[tilespmem:s20+$0x80C0] =	vst v0  }
0x1e: {  	[tilespmem:s20+$0x80D0] =	vst v0;
	p0 =	sne.s32 s8, $0x1  }
.Ltmp1:
0x1f: {  	[tilespmem:s20+$0x80E0] =	vst v0;
	(pc) =	sbr.rel @!p0 .LBB2_5-.Ltmp1, $4  }
0x20: {  	[tilespmem:s20+$0x80F0] =	vst v0  }
0x21: {  	[spmem:s12] =	stream.linear.scatter [tilespmem:s14], [sflag:$0x2], $0x2800, $0x38;
	[tilespmem:$0x1E180] =	vst v63  }
0x22: {  	_ =	swait.ge [sflag:s15], $0x2800  }
0x23: {  	s20 =	sadd.s32 $0xFFFFFFFF, s8;
	s21 =	smov.u32 s12;
	[sflag:s15] =	ssyncset.done $0x0  }
.LBB2_4:
0x24: {  	p1 =	sne.s32 s20, $0x1;
	[sflag:s15] =	ssyncadd.s32 $0xFFFFD800;
	s21 =	sadd.s32 $0x28000, s21  }
.Ltmp2:
0x25: {  	s20 =	sadd.s32 $0xFFFFFFFF, s20;
	(pc) =	sbr.rel @p1 .LBB2_4-.Ltmp2, $4  }
0x26: {  	_ = 	snop  }
0x27: {  	[spmem:s21] =	stream.linear.scatter [tilespmem:s14], [sflag:$0x2], $0x2800, $0x38;
	[tilespmem:$0x1E180] =	vst v63  }
0x28: {  	_ =	swait.ge [sflag:s15], $0x2800  }
0x29: {  	[sflag:s15] =	ssyncset.done $0x0  }
.LBB2_5:
0x2a: {  	[sflag:s15] =	ssyncadd.s32 $0xFFFFD800  }
0x2b: {  	s20 =	simm.s32 $0x0;
	s21 =	simm.s32 $0x0;
	[bflag:$0x0] =	sbarrier.arrive $0xFFFF  }
.LBB2_6:
0x2c: {  	s22 =	sshll.u32 s21, $0xC  }
0x2d: {  	s22 =	sor.u32 s9, s22  }
0x2e: {  	s23 =	sshrl.u32 s22, $0x3  }
0x2f: {  	s24 =	sadd.s32 s5, s23  }
0x30: {  	[tilespmem:s20], [sflag:$0x2] =	stream.linear.gather [hbm4b:s24+s20], $0x80, $0x38;
	[tilespmem:$0x1E180] =	vst v63  }
0x31: {  	_ =	swait.ge [sflag:s15], $0x80  }
0x32: {  	[sflag:s15] =	ssyncset.done $0x0  }
0x33: {  	s23 =	sadd.s32 s6, s23;
	[sflag:s15] =	ssyncadd.s32 $0xFFFFFF80  }
0x34: {  	[tilespmem:s16], [sflag:$0x2] =	stream.linear.gather [hbm4b:s23+s20], $0x80, $0x38;
	[tilespmem:$0x1E180] =	vst v63  }
0x35: {  	_ =	swait.ge [sflag:s15], $0x80  }
0x36: {  	[sflag:s15] =	ssyncset.done $0x0  }
0x37: {  	[sflag:s15] =	ssyncadd.s32 $0xFFFFFF80  }
0x38: {  	[tilespmem:s17], [sflag:$0x1] =	stream.indirect.gather [hbm4b:s1+s16], $0x80, s20, s16, $0xb8;
	[tilespmem:$0x1E180] =	vst v63  }
0x39: {  	_ =	swait.ge [sflag:s18], $0x4000  }
0x3a: {  	s22 =	sshll.u32 s22, $0x4;
	[sflag:s18] =	ssyncset.done $0x0  }
0x3b: {  	s22 =	sadd.s32 s7, s22;
	[sflag:s18] =	ssyncadd.s32 $0xFFFFC000  }
0x3c: {  	[tilespmem:s19], [sflag:$0x2] =	stream.linear.gather [hbm4b:s22+s20], $0x4000, $0x38;
	[tilespmem:$0x1E180] =	vst v63  }
0x3d: {  	_ =	swait.ge [sflag:s15], $0x4000  }
0x3e: {  	[sflag:s15] =	ssyncset.done $0x0  }
0x3f: {  	s22 =	simm.s32 $0x0;
	[sflag:s15] =	ssyncadd.s32 $0xFFFFC000  }
0x40: {  	v8 =	vld [tilespmem:s22+$0x100]  }
0x41: {  	v12 =	vld [tilespmem:s22+$0x110]  }
0x42: {  	v6 =	vld [tilespmem:s22+$0x120]  }
0x43: {  	v5 =	vld [tilespmem:s22+$0x130]  }
0x44: {  	v4 =	vld [tilespmem:s22+$0x140]  }
0x45: {  	v3 =	vld [tilespmem:s22+$0x150]  }
0x46: {  	v2 =	vld [tilespmem:s22+$0x160]  }
0x47: {  	v1 =	vld [tilespmem:s22+$0x170]  }
0x48: {  	v13 =	vld [tilespmem:s22+$0x4100]  }
0x49: {  	v14 =	vld [tilespmem:s22+$0x4110]  }
0x4a: {  	v11 =	vld [tilespmem:s22+$0x4120]  }
0x4b: {  	v10 =	vld [tilespmem:s22+$0x4130]  }
0x4c: {  	v9 =	vld [tilespmem:s22+$0x4140]  }
0x4d: {  	v7 =	vld [tilespmem:s22+$0x4150];
	v13 =	vmul.f32 v8, v13  }
0x4e: {  	s23 =	simm.s32 $0x200;
	v12 =	vmul.f32 v12, v14;
	v8 =	vld [tilespmem:s22+$0x4160]  }
.LBB2_7:
0x4f: {  	s24 =	sshra.s32 s23, $0x2;
	p1 =	sne.s32 s23, $0xFE00;
	[tilespmem:s22+$0x4100] =	vst v13;
	v6 =	vmul.f32 v6, v11;
	v11 =	vld [tilespmem:s22+$0x4170]  }
0x50: {  	v13 =	vld [tilespmem:s24+$0x100];
	[tilespmem:s22+$0x4110] =	vst v12;
	v5 =	vmul.f32 v5, v10  }
0x51: {  	v12 =	vld [tilespmem:s24+$0x110];
	[tilespmem:s22+$0x4120] =	vst v6;
	v4 =	vmul.f32 v4, v9  }
0x52: {  	v6 =	vld [tilespmem:s24+$0x120];
	[tilespmem:s22+$0x4130] =	vst v5;
	v3 =	vmul.f32 v3, v7  }
0x53: {  	v5 =	vld [tilespmem:s24+$0x130];
	[tilespmem:s22+$0x4140] =	vst v4;
	v2 =	vmul.f32 v2, v8  }
0x54: {  	v4 =	vld [tilespmem:s24+$0x140];
	[tilespmem:s22+$0x4150] =	vst v3;
	v1 =	vmul.f32 v1, v11  }
0x55: {  	v3 =	vld [tilespmem:s24+$0x150];
	[tilespmem:s22+$0x4160] =	vst v2  }
0x56: {  	v2 =	vld [tilespmem:s24+$0x160];
	[tilespmem:s22+$0x4170] =	vst v1;
	s22 =	smov.u32 s24  }
0x57: {  	v1 =	vld [tilespmem:s22+$0x170]  }
0x58: {  	v7 =	vld [tilespmem:s22+$0x4100]  }
0x59: {  	v8 =	vld [tilespmem:s22+$0x4110]  }
.Ltmp3:
0x5a: {  	v11 =	vld [tilespmem:s22+$0x4120];
	(pc) =	sbr.rel @p1 .LBB2_7-.Ltmp3, $4  }
0x5b: {  	v10 =	vld [tilespmem:s22+$0x4130]  }
0x5c: {  	v9 =	vld [tilespmem:s22+$0x4140]  }
0x5d: {  	v13 =	vmul.f32 v13, v7;
	v7 =	vld [tilespmem:s22+$0x4150]  }
0x5e: {  	s23 =	sadd.s32 $0x200, s23;
	v12 =	vmul.f32 v12, v8;
	v8 =	vld [tilespmem:s22+$0x4160]  }
0x5f: {  	[tilespmem:s22+$0x4100] =	vst v13;
	v6 =	vmul.f32 v6, v11;
	v63 =	vld [tilespmem:s22+$0x4170]  }
0x60: {  	[tilespmem:s22+$0x4110] =	vst v12;
	v5 =	vmul.f32 v5, v10  }
0x61: {  	[tilespmem:s22+$0x4120] =	vst v6;
	v4 =	vmul.f32 v4, v9  }
0x62: {  	[tilespmem:s22+$0x4130] =	vst v5;
	v3 =	vmul.f32 v3, v7  }
0x63: {  	[tilespmem:s22+$0x4140] =	vst v4;
	v2 =	vmul.f32 v2, v8  }
0x64: {  	s21 =	sadd.s32 $0x1, s21;
	[tilespmem:s22+$0x4150] =	vst v3;
	v1 =	vmul.f32 v1, v63  }
0x65: {  	p1 =	sne.s32 s21, s10;
	[tilespmem:s22+$0x4160] =	vst v2  }
.Ltmp4:
0x66: {  	[tilespmem:s22+$0x4170] =	vst v1;
	(pc) =	sbr.rel @p1 .LBB2_6-.Ltmp4, $4  }
0x67: {  	[spmem:s2] =	stream.indirect.scatter.add.f32 [tilespmem:s17], [sflag:$0x2], $0x80, s16, s16, $0xb8;
	[tilespmem:$0x1E180] =	vst v63  }
0x68: {  	_ =	swait.ge [sflag:s15], $0x4000  }
0x69: {  	[sflag:s15] =	ssyncset.done $0x0  }
0x6a: {  	[sflag:s15] =	ssyncadd.s32 $0xFFFFC000  }
.Ltmp5:
0x6b: {  	(pc) =	sbr.rel @!p0 .LBB2_11-.Ltmp5, $4  }
0x6c: {  	s20 =	sshll.u32 s3, $0x6;
	[bflag:$0x0] =	sbarrier.arrive $0xFFFF  }
0x6d: {  	s21 =	sshrl.u32 s12, $0x3;
	s22 =	sadd.s32 $0x5000, s13;
	s20 =	sor.u32 $0x1C02, s20  }
0x6e: {  	[hbm:s13], [sflag:s20] =	dma.local [spmem:s21], $0x500  }
0x6f: {  	s23 =	smov.u32 s12;
	s21 =	sadd.s32 $0xFFFFFFFF, s8;
	_ =	swait.ge [sflag:s15], $0x500  }
.LBB2_10:
0x70: {  	[sflag:s15] =	ssyncset.done $0x0;
	s23 =	sadd.s32 $0x28000, s23;
	p0 =	sne.s32 s21, $0x1  }
.Ltmp6:
0x71: {  	s24 =	sshrl.u32 s23, $0x3;
	[sflag:s15] =	ssyncadd.s32 $0xFFFFFB00;
	(pc) =	sbr.rel @p0 .LBB2_10-.Ltmp6, $3  }
0x72: {  	[hbm:s22], [sflag:s20] =	dma.local [spmem:s24], $0x500  }
0x73: {  	s21 =	sadd.s32 $0xFFFFFFFF, s21;
	_ =	sdelay $0x1  }
0x74: {  	s22 =	sadd.s32 $0x5000, s22;
	_ =	swait.ge [sflag:s15], $0x500  }
.LBB2_11:
0x75: {  	s4 =	sadd.s32 $0x1, s4  }
0x76: {  	p0 =	sne.s32 s4, s11  }
.Ltmp7:
0x77: {  	_ = 	snop;
	(pc) =	sbr.rel @p0 .LBB2_1-.Ltmp7, $3  }
0x78: {  	_ =	sdelay $0x1  }
0x79: {  	[sflag:s15] =	ssyncset.done $0x0  }
0x7a: {  	[sflag:s15] =	ssyncadd.s32 $0xFFFFFB00  }
0x7b: {  	_ =	sfence.sel $0x180000  }
0x7c: {  	[bflag:$0x0] =	sbarrier.arrive $0xFFFF  }
0x7d: {  	p0 =	sne.s32 s3, $0x0;
	_ =	strace $0x90000047  }
0x7e: {  	s0 =	sadd.s32 @!p0 $0x100000, s0;
	[bflag:$0x2] =	sbarrier.arrive $0xFFFF  }
0x7f: {  	[sflag:s0] =	ssyncadd.tile.s32 @!p0 $0x1;
	_ =	shalt  }
.Lfunc_end2:
_tile_overlayer_lowered:
.L_overlay_start_2:
0x80: {  	(tag) =	ssettag $0x2  }
0x81: {  	s0 =	rddreg [dreg:$0x0];
	s2 =	stileid.u32  }
0x82: {  	s1 =	rddreg [dreg:$0x1];
	p0 =	sne.s32 s2, $0x0  }
0x83: {  	s3 =	rddreg [dreg:$0x2];
	[bflag:$0x3] =	sbarrier.arrive $0xFFFF;
	s2 =	simm.s32 @!p0 $0x1C02  }
0x84: {  	[timem:s3], [sflag:s2] =	dma.local @!p0 [hbm:s0], s1  }
0x85: {  	s0 =	simm.s32 @!p0 $0x2  }
0x86: {  	_ =	swait.ge @!p0 [sflag:s0], s1  }
0x87: {  	s1 =	ssub.s32 @!p0 $0x0, s1;
	[sflag:s0] =	ssyncset.done @!p0 $0x0  }
0x88: {  	[sflag:s0] =	ssyncadd.s32 @!p0 s1  }
0x89: {  	[bflag:$0x3] =	sbarrier.arrive $0xFFFF  }
0x8a: {  	_ =	shalt  }

</sc_bundles>
